<compile_context>
chip_gen: v7x
topology: tpu7x:2x2x1
jax: 0.10.2.dev20260603
libtpu: 0.0.44.dev20260713+nightly
codegen_flags: <defaults>
</compile_context>

<pallas_src>
import functools

import jax
import jax.numpy as jnp
from jax import lax
from jax.experimental import pallas as pl
from jax.experimental.pallas import tpu as pltpu
from jax.experimental.pallas import tpu_sc as plsc

_THRESHOLD = 0.5
_NA_PLANES = 24
_BS = 8
_SC_CHUNK = 384


def _match_targets(t_ref, an_ref, A, H, W, T_per_b):
    tx = t_ref[1:2, :]
    ty = t_ref[2:3, :]
    tw = t_ref[3:4, :] * float(W)
    th = t_ref[4:5, :] * float(H)
    area_t = tw * th

    best_iou = None
    best_a = jnp.zeros_like(tx, dtype=jnp.int32)
    for k in range(A):
        aw = an_ref[k:k + 1, 0:1]
        ah = an_ref[k:k + 1, 1:2]
        inter = jnp.minimum(aw, tw) * jnp.minimum(ah, th)
        iou = inter / (aw * ah + area_t - inter)
        if k == 0:
            best_iou = iou
        else:
            upd = iou > best_iou
            best_a = jnp.where(upd, k, best_a)
            best_iou = jnp.where(upd, iou, best_iou)

    t_i = (tx * float(W)).astype(jnp.int32)
    t_j = (ty * float(H)).astype(jnp.int32)
    t_b = jax.lax.broadcasted_iota(jnp.int32, tx.shape, 1) // T_per_b
    hit = (best_iou > _THRESHOLD).astype(jnp.float32)
    lin = ((t_b * A + best_a) * H + t_j) * W + t_i
    return hit, lin


def _bce_sum(pred, gt):
    log_p = jnp.maximum(jnp.log(pred), -100.0)
    log_1p = jnp.maximum(jnp.log(1.0 - pred), -100.0)
    return jnp.sum(jnp.where(gt, -log_p, -log_1p))


def _tc_a_body(t_ref, an_ref, x_ref, out_ref, *, A, H, W, T_total, T_per_b):
    i = pl.program_id(0)
    n = pl.num_programs(0)
    pred = x_ref[:, :, :, 4].reshape(_BS * H, W)

    hit, lin = _match_targets(t_ref, an_ref, A, H, W, T_per_b)
    plane_u = jax.lax.div(lin, H * W)
    cell_u = jax.lax.rem(lin, H * W)
    t_j = jax.lax.div(cell_u, W)
    t_i = jax.lax.rem(cell_u, W)

    row_iota = jax.lax.broadcasted_iota(jnp.int32, (H, T_total), 0)
    col_iota = jax.lax.broadcasted_iota(jnp.int32, (W, T_total), 0)
    oj_base = (row_iota == t_j)
    oi = (col_iota == t_i).astype(jnp.float32)

    oj_rows = []
    for s in range(_BS):
        plane = i * _BS + s
        sel = (hit * (plane_u == plane).astype(jnp.float32))
        oj_rows.append(oj_base.astype(jnp.float32) * sel)
    oj = jnp.concatenate(oj_rows, axis=0)
    cnt = jax.lax.dot_general(oj, oi, (((1,), (1,)), ((), ())),
                              preferred_element_type=jnp.float32)
    gt = cnt > 0.0

    s_sum = _bce_sum(pred, gt)
    acc = jnp.where(i == 0, 0.0, out_ref[0, 0]) + s_sum
    out_ref[0, 0] = acc


def _sc_extract(x_hbm, out_hbm, b0, b1, vals_v, s0, s1, *, row0, n_per_w, nc,
                chan):
    wid = lax.axis_index("s") * nc + lax.axis_index("c")
    base = row0 + wid * n_per_w
    bufs = (b0, b1)
    sems = (s0, s1)
    n_chunks = n_per_w // _SC_CHUNK

    def _dma(k):
        return pltpu.make_async_copy(
            x_hbm.at[pl.ds(base + k * _SC_CHUNK, _SC_CHUNK), :],
            bufs[k % 2], sems[k % 2])

    lane = lax.broadcasted_iota(jnp.int32, (16,), 0)
    idx_chan = jnp.full((16,), chan, jnp.int32)

    _dma(0).start()
    for k in range(n_chunks):
        if k + 1 < n_chunks:
            _dma(k + 1).start()
        _dma(k).wait()
        buf = bufs[k % 2]

        def _grp(g, _, buf=buf, k=k):
            r0 = pl.multiple_of(g * 16, 16)
            acc = jnp.zeros((16,), jnp.float32)
            for j in range(16):
                v = buf[r0 + j, pl.ds(0, 16)]
                b = v.at[idx_chan].get(mode="promise_in_bounds")
                acc = jnp.where(lane == j, b, acc)
            vals_v[pl.ds(k * _SC_CHUNK + r0, 16)] = acc
            return 0

        lax.fori_loop(0, _SC_CHUNK // 16, _grp, 0, unroll=False)
    pltpu.sync_copy(vals_v, out_hbm.at[pl.ds(wid * n_per_w, n_per_w)])


def _sc_gather_channel(x2d, row0, n_out, chan):
    C = x2d.shape[1]
    info = plsc.get_sparse_core_info()
    nc, ns = info.num_cores, info.num_subcores
    n_per_w = n_out // (nc * ns)
    mesh = plsc.VectorSubcoreMesh(core_axis_name="c", subcore_axis_name="s")
    return pl.kernel(
        functools.partial(_sc_extract, row0=row0, n_per_w=n_per_w, nc=nc,
                          chan=chan),
        mesh=mesh,
        out_type=jax.ShapeDtypeStruct((n_out,), jnp.float32),
        scratch_types=[
            pltpu.VMEM((_SC_CHUNK, C), jnp.float32),
            pltpu.VMEM((_SC_CHUNK, C), jnp.float32),
            pltpu.VMEM((n_per_w,), jnp.float32),
            pltpu.SemaphoreType.DMA,
            pltpu.SemaphoreType.DMA,
        ],
    )(x2d)


def _tc_c_body(t_ref, an_ref, p_ref, sa_ref, out_ref, *, A, H, W, T_total,
               T_per_b, n_elems, row0, n_rows, n_lanes):
    pred = p_ref[:, :]

    hit, lin = _match_targets(t_ref, an_ref, A, H, W, T_per_b)
    v = lin - row0
    r_u = jax.lax.div(v, n_lanes)
    l_u = jax.lax.rem(v, n_lanes)

    row_iota = jax.lax.broadcasted_iota(jnp.int32, (n_rows, T_total), 0)
    lane_iota = jax.lax.broadcasted_iota(jnp.int32, (n_lanes, T_total), 0)
    rh = (row_iota == r_u).astype(jnp.float32) * hit
    lh = (lane_iota == l_u).astype(jnp.float32)
    cnt = jax.lax.dot_general(rh, lh, (((1,), (1,)), ((), ())),
                              preferred_element_type=jnp.float32)
    gt = cnt > 0.0

    s_sum = _bce_sum(pred, gt)
    out_ref[0, 0] = (s_sum + sa_ref[0, 0]) / float(n_elems)


def kernel(output, anchors, targets):
    B, A, H, W, C = output.shape
    T = targets.shape[1]
    n_elems = B * A * H * W
    n_planes = B * A
    x4d = output.reshape(n_planes, H, W, C)
    x2d = output.reshape(n_elems, C)
    tt = targets.reshape(B * T, 5).T

    row0 = _NA_PLANES * H * W
    n_b = n_elems - row0

    s_a = pl.pallas_call(
        functools.partial(_tc_a_body, A=A, H=H, W=W, T_total=B * T,
                          T_per_b=T),
        grid=(_NA_PLANES // _BS,),
        in_specs=[
            pl.BlockSpec((5, B * T), lambda i: (0, 0)),
            pl.BlockSpec((A, 2), lambda i: (0, 0)),
            pl.BlockSpec((_BS, H, W, C), lambda i: (i, 0, 0, 0)),
        ],
        out_specs=pl.BlockSpec(memory_space=pltpu.SMEM),
        out_shape=jax.ShapeDtypeStruct((1, 1), jnp.float32),
    )(tt, anchors, x4d)

    pred_b = _sc_gather_channel(x2d, row0, n_b, 4).reshape(n_b // 128, 128)

    out = pl.pallas_call(
        functools.partial(_tc_c_body, A=A, H=H, W=W, T_total=B * T,
                          T_per_b=T, n_elems=n_elems, row0=row0,
                          n_rows=n_b // 128, n_lanes=128),
        in_specs=[
            pl.BlockSpec((5, B * T), lambda: (0, 0)),
            pl.BlockSpec((A, 2), lambda: (0, 0)),
            pl.BlockSpec((n_b // 128, 128), lambda: (0, 0)),
            pl.BlockSpec(memory_space=pltpu.SMEM),
        ],
        out_specs=pl.BlockSpec(memory_space=pltpu.SMEM),
        out_shape=jax.ShapeDtypeStruct((1, 1), jnp.float32),
    )(tt, anchors, pred_b, s_a)
    return out[0, 0]

# --- scband reference (transcript-rebuilt; emitter-appended) ---
"""Pipeline reference for scband-object-loss-14370960573188 (READ-ONLY COPY).

The authoritative reference and input builder live on the scoring server;
editing this copy changes nothing except your own understanding.
"""

import jax, jax.numpy as jnp
import numpy as np

THRESHOLD = 0.5


def setup_inputs(seed: int = 0) -> dict:
    key = jax.random.key(seed)
    k1, k2, k3 = jax.random.split(key, 3)
    output = jax.random.uniform(k1, (16, 3, 32, 32, 85), dtype=jnp.float32)
    anchors = jax.random.uniform(k2, (3, 2), dtype=jnp.float32)
    targets = jax.random.uniform(k3, (16, 20, 5), dtype=jnp.float32)
    return {"output": output, "anchors": anchors, "targets": targets}


def _bce_mean(pred, gt):
    # torch BCELoss clamps log terms at -100
    log_p = jnp.clip(jnp.log(pred), -100.0, None)
    log_1p = jnp.clip(jnp.log(1.0 - pred), -100.0, None)
    return jnp.mean(-(gt * log_p + (1.0 - gt) * log_1p))


def reference(output, anchors, targets):
    # single scale level: outputs = [(output, anchors)]
    prediction = output[..., 4]  # [B, A, H, W]
    B, A, H, W = prediction.shape
    # targets[b, t] = [cls, x, y, w, h]
    tx = targets[..., 1]
    ty = targets[..., 2]
    tw = targets[..., 3] * W  # [B, T]
    th = targets[..., 4] * H
    t_i = (tx * W).astype(jnp.int32)  # [B, T]
    t_j = (ty * H).astype(jnp.int32)
    # match_anchors, vectorized over [B, T, A]
    inter = jnp.minimum(anchors[:, 0], tw[..., None]) * jnp.minimum(anchors[:, 1], th[..., None])
    combined = anchors[:, 0] * anchors[:, 1] + (tw * th)[..., None]
    ious = inter / (combined - inter)
    t_a = jnp.argmax(ious, axis=-1)  # [B, T]
    iou_max = jnp.max(ious, axis=-1)
    mask = (iou_max > THRESHOLD).astype(prediction.dtype)
    b_idx = jnp.broadcast_to(jnp.arange(B)[:, None], t_a.shape)
    gt = jnp.zeros_like(prediction)
    # torch writes 1 only where iou > threshold; values are 0/1 so scatter-max is equivalent
    gt = gt.at[b_idx, t_a, t_j, t_i].max(mask)
    # ground_truth is a non-grad leaf in torch (zeros_like + constant assignment)
    gt = jax.lax.stop_gradient(gt)
    return _bce_mean(prediction.reshape(-1), gt.reshape(-1))

if __name__ == "__main__":
    import jax
    _d = setup_inputs()
    print(jax.jit(kernel)(*tuple(_d.values())))

</pallas_src>

<mosaic_0001>
#map = affine_map<(d0, d1) -> (0, 0)>
#map1 = affine_map<(d0, d1) -> (0)>
module attributes {stable_mosaic.version = 14 : i64} {
  func.func @_sc_extract(%arg0: i32, %arg1: i32, %arg2: memref<49152x85xf32, #tpu.memory_space<hbm>>, %arg3: memref<24576xf32, #tpu.memory_space<hbm>>, %arg4: memref<384x85xf32, #tpu.memory_space<vmem>>, %arg5: memref<384x85xf32, #tpu.memory_space<vmem>>, %arg6: memref<768xf32, #tpu.memory_space<vmem>>, %arg7: memref<!tpu.dma_semaphore, #tpu.memory_space<semaphore_mem>>, %arg8: memref<!tpu.dma_semaphore, #tpu.memory_space<semaphore_mem>>) attributes {dimension_semantics = [#tpu.dimension_semantics<core_parallel>, #tpu.dimension_semantics<subcore_parallel>], iteration_bounds = array<i64: 2, 16>, scalar_prefetch = 0 : i64, scratch_operands = 5 : i64, tpu.core_type = #tpu.core_type<sc_vector_subcore>, window_params = [{transform_indices = #map}, {transform_indices = #map1}]} {
    %mul3A = arith.constant 2 : i32
    %mul3A_0 = arith.muli %arg1, %mul3A : i32
    %add3A = arith.addi %mul3A_0, %arg0 : i32
    %mul3A_1 = arith.constant 768 : i32
    %mul3A_2 = arith.muli %add3A, %mul3A_1 : i32
    %add3A_3 = arith.constant 24576 : i32
    %add3A_4 = arith.addi %add3A_3, %mul3A_2 : i32
    %iota3A = tpu.iota {dimensions = array<i32: 0>} : vector<16xi32>
    %broadcast_in_dim3A = arith.constant 4 : i32
    %broadcast_in_dim3A_5 = vector.broadcast %broadcast_in_dim3A : i32 to vector<16xi32>
    %add3A_6 = arith.constant 0 : i32
    %add3A_7 = arith.addi %add3A_4, %add3A_6 : i32
    %dma_start3A = arith.constant 0 : i32
    %dma_start3A_8 = tpu.memref_slice %arg2[%add3A_7, %dma_start3A] : memref<49152x85xf32, #tpu.memory_space<hbm>> -> memref<384x85xf32, #tpu.memory_space<hbm>>
    %dma_start3A_9 = arith.constant 0 : i32
    %dma_start3A_10 = tpu.memref_slice %arg2[%add3A_7, %dma_start3A_9] : memref<49152x85xf32, #tpu.memory_space<hbm>> -> memref<384x85xf32, #tpu.memory_space<hbm>>
    tpu.enqueue_dma source(%dma_start3A_10 : memref<384x85xf32, #tpu.memory_space<hbm>>) target(%arg4 : memref<384x85xf32, #tpu.memory_space<vmem>>) target_semaphore(%arg7 : memref<!tpu.dma_semaphore, #tpu.memory_space<semaphore_mem>>)
    %add3A_11 = arith.constant 384 : i32
    %add3A_12 = arith.addi %add3A_4, %add3A_11 : i32
    %dma_start3A_13 = arith.constant 0 : i32
    %dma_start3A_14 = tpu.memref_slice %arg2[%add3A_12, %dma_start3A_13] : memref<49152x85xf32, #tpu.memory_space<hbm>> -> memref<384x85xf32, #tpu.memory_space<hbm>>
    %dma_start3A_15 = arith.constant 0 : i32
    %dma_start3A_16 = tpu.memref_slice %arg2[%add3A_12, %dma_start3A_15] : memref<49152x85xf32, #tpu.memory_space<hbm>> -> memref<384x85xf32, #tpu.memory_space<hbm>>
    tpu.enqueue_dma source(%dma_start3A_16 : memref<384x85xf32, #tpu.memory_space<hbm>>) target(%arg5 : memref<384x85xf32, #tpu.memory_space<vmem>>) target_semaphore(%arg8 : memref<!tpu.dma_semaphore, #tpu.memory_space<semaphore_mem>>)
    %add3A_17 = arith.constant 0 : i32
    %add3A_18 = arith.addi %add3A_4, %add3A_17 : i32
    %dma_wait3A = arith.constant 0 : i32
    %dma_wait3A_19 = tpu.memref_slice %arg2[%add3A_18, %dma_wait3A] : memref<49152x85xf32, #tpu.memory_space<hbm>> -> memref<384x85xf32, #tpu.memory_space<hbm>>
    %dma_wait3A_20 = arith.constant 0 : i32
    %dma_wait3A_21 = tpu.memref_slice %arg2[%add3A_18, %dma_wait3A_20] : memref<49152x85xf32, #tpu.memory_space<hbm>> -> memref<384x85xf32, #tpu.memory_space<hbm>>
    tpu.wait_dma2 semaphore(%arg7 : memref<!tpu.dma_semaphore, #tpu.memory_space<semaphore_mem>>) src(%dma_wait3A_21 : memref<384x85xf32, #tpu.memory_space<hbm>>) dst(%arg4 : memref<384x85xf32, #tpu.memory_space<vmem>>)
    %scan3A = arith.constant 0 : i32
    %scan3A_22 = arith.constant 0 : i32
    %scan3A_23 = arith.constant 24 : i32
    %scan3A_24 = arith.addi %scan3A_22, %scan3A_23 : i32
    %scan3A_25 = arith.constant 1 : i32
    %scan3A_26 = scf.for %scan3A_43 = %scan3A_22 to %scan3A_24 step %scan3A_25 iter_args(%scan3A_44 = %scan3A) -> (i32)  : i32 {
      %mul3A_45 = arith.constant 16 : i32
      %mul3A_46 = arith.muli %scan3A_43, %mul3A_45 : i32
      %multiple_of3A = tpu.assume_multiple %mul3A_46, 16 : i32
      %broadcast_in_dim3A_47 = arith.constant 0.000000e+00 : f32
      %broadcast_in_dim3A_48 = vector.broadcast %broadcast_in_dim3A_47 : f32 to vector<16xf32>
      %add3A_49 = arith.constant 0 : i32
      %add3A_50 = arith.addi %multiple_of3A, %add3A_49 : i32
      %get3A = arith.index_cast %add3A_50 : i32 to index
      %get3A_51 = arith.constant 0 : index
      %get3A_52 = tpu.vector_load %arg4[%get3A, %get3A_51] {strides = array<i32>} : memref<384x85xf32, #tpu.memory_space<vmem>>, vector<1x16xf32>,
      %get3A_53 = vector.shape_cast %get3A_52 : vector<1x16xf32> to vector<16xf32>
      %lt3A = arith.constant 0 : i32
      %lt3A_54 = vector.broadcast %lt3A : i32 to vector<16xi32>
      %lt3A_55 = arith.cmpi slt, %broadcast_in_dim3A_5, %lt3A_54 : vector<16xi32>
      %add3A_56 = arith.constant 16 : i32
      %add3A_57 = vector.broadcast %add3A_56 : i32 to vector<16xi32>
      %add3A_58 = arith.addi %broadcast_in_dim3A_5, %add3A_57 : vector<16xi32>
      %select_n3A = arith.select %lt3A_55, %add3A_58, %broadcast_in_dim3A_5 : vector<16xi1>, vector<16xi32>
      %broadcast_in_dim3A_59 = vector.shape_cast %select_n3A : vector<16xi32> to vector<16x1xi32>
      %gather3A = vector.shape_cast %broadcast_in_dim3A_59 : vector<16x1xi32> to vector<16xi32>
      %gather3A_60 = tpu.dynamic_gather %get3A_53[%gather3A] in [0] : vector<16xf32>, vector<16xi32> -> vector<16xf32>
      %eq3A = arith.constant 0 : i32
      %eq3A_61 = vector.broadcast %eq3A : i32 to vector<16xi32>
      %eq3A_62 = arith.cmpi eq, %iota3A, %eq3A_61 : vector<16xi32>
      %select_n3A_63 = arith.select %eq3A_62, %gather3A_60, %broadcast_in_dim3A_48 : vector<16xi1>, vector<16xf32>
      %add3A_64 = arith.constant 1 : i32
      %add3A_65 = arith.addi %multiple_of3A, %add3A_64 : i32
      %get3A_66 = arith.index_cast %add3A_65 : i32 to index
      %get3A_67 = arith.constant 0 : index
      %get3A_68 = tpu.vector_load %arg4[%get3A_66, %get3A_67] {strides = array<i32>} : memref<384x85xf32, #tpu.memory_space<vmem>>, vector<1x16xf32>,
      %get3A_69 = vector.shape_cast %get3A_68 : vector<1x16xf32> to vector<16xf32>
      %lt3A_70 = arith.constant 0 : i32
      %lt3A_71 = vector.broadcast %lt3A_70 : i32 to vector<16xi32>
      %lt3A_72 = arith.cmpi slt, %broadcast_in_dim3A_5, %lt3A_71 : vector<16xi32>
      %add3A_73 = arith.constant 16 : i32
      %add3A_74 = vector.broadcast %add3A_73 : i32 to vector<16xi32>
      %add3A_75 = arith.addi %broadcast_in_dim3A_5, %add3A_74 : vector<16xi32>
      %select_n3A_76 = arith.select %lt3A_72, %add3A_75, %broadcast_in_dim3A_5 : vector<16xi1>, vector<16xi32>
      %broadcast_in_dim3A_77 = vector.shape_cast %select_n3A_76 : vector<16xi32> to vector<16x1xi32>
      %gather3A_78 = vector.shape_cast %broadcast_in_dim3A_77 : vector<16x1xi32> to vector<16xi32>
      %gather3A_79 = tpu.dynamic_gather %get3A_69[%gather3A_78] in [0] : vector<16xf32>, vector<16xi32> -> vector<16xf32>
      %eq3A_80 = arith.constant 1 : i32
      %eq3A_81 = vector.broadcast %eq3A_80 : i32 to vector<16xi32>
      %eq3A_82 = arith.cmpi eq, %iota3A, %eq3A_81 : vector<16xi32>
      %select_n3A_83 = arith.select %eq3A_82, %gather3A_79, %select_n3A_63 : vector<16xi1>, vector<16xf32>
      %add3A_84 = arith.constant 2 : i32
      %add3A_85 = arith.addi %multiple_of3A, %add3A_84 : i32
      %get3A_86 = arith.index_cast %add3A_85 : i32 to index
      %get3A_87 = arith.constant 0 : index
      %get3A_88 = tpu.vector_load %arg4[%get3A_86, %get3A_87] {strides = array<i32>} : memref<384x85xf32, #tpu.memory_space<vmem>>, vector<1x16xf32>,
      %get3A_89 = vector.shape_cast %get3A_88 : vector<1x16xf32> to vector<16xf32>
      %lt3A_90 = arith.constant 0 : i32
      %lt3A_91 = vector.broadcast %lt3A_90 : i32 to vector<16xi32>
      %lt3A_92 = arith.cmpi slt, %broadcast_in_dim3A_5, %lt3A_91 : vector<16xi32>
      %add3A_93 = arith.constant 16 : i32
      %add3A_94 = vector.broadcast %add3A_93 : i32 to vector<16xi32>
      %add3A_95 = arith.addi %broadcast_in_dim3A_5, %add3A_94 : vector<16xi32>
      %select_n3A_96 = arith.select %lt3A_92, %add3A_95, %broadcast_in_dim3A_5 : vector<16xi1>, vector<16xi32>
      %broadcast_in_dim3A_97 = vector.shape_cast %select_n3A_96 : vector<16xi32> to vector<16x1xi32>
      %gather3A_98 = vector.shape_cast %broadcast_in_dim3A_97 : vector<16x1xi32> to vector<16xi32>
      %gather3A_99 = tpu.dynamic_gather %get3A_89[%gather3A_98] in [0] : vector<16xf32>, vector<16xi32> -> vector<16xf32>
      %eq3A_100 = arith.constant 2 : i32
      %eq3A_101 = vector.broadcast %eq3A_100 : i32 to vector<16xi32>
      %eq3A_102 = arith.cmpi eq, %iota3A, %eq3A_101 : vector<16xi32>
      %select_n3A_103 = arith.select %eq3A_102, %gather3A_99, %select_n3A_83 : vector<16xi1>, vector<16xf32>
      %add3A_104 = arith.constant 3 : i32
      %add3A_105 = arith.addi %multiple_of3A, %add3A_104 : i32
      %get3A_106 = arith.index_cast %add3A_105 : i32 to index
      %get3A_107 = arith.constant 0 : index
      %get3A_108 = tpu.vector_load %arg4[%get3A_106, %get3A_107] {strides = array<i32>} : memref<384x85xf32, #tpu.memory_space<vmem>>, vector<1x16xf32>,
      %get3A_109 = vector.shape_cast %get3A_108 : vector<1x16xf32> to vector<16xf32>
      %lt3A_110 = arith.constant 0 : i32
      %lt3A_111 = vector.broadcast %lt3A_110 : i32 to vector<16xi32>
      %lt3A_112 = arith.cmpi slt, %broadcast_in_dim3A_5, %lt3A_111 : vector<16xi32>
      %add3A_113 = arith.constant 16 : i32
      %add3A_114 = vector.broadcast %add3A_113 : i32 to vector<16xi32>
      %add3A_115 = arith.addi %broadcast_in_dim3A_5, %add3A_114 : vector<16xi32>
      %select_n3A_116 = arith.select %lt3A_112, %add3A_115, %broadcast_in_dim3A_5 : vector<16xi1>, vector<16xi32>
      %broadcast_in_dim3A_117 = vector.shape_cast %select_n3A_116 : vector<16xi32> to vector<16x1xi32>
      %gather3A_118 = vector.shape_cast %broadcast_in_dim3A_117 : vector<16x1xi32> to vector<16xi32>
      %gather3A_119 = tpu.dynamic_gather %get3A_109[%gather3A_118] in [0] : vector<16xf32>, vector<16xi32> -> vector<16xf32>
      %eq3A_120 = arith.constant 3 : i32
      %eq3A_121 = vector.broadcast %eq3A_120 : i32 to vector<16xi32>
      %eq3A_122 = arith.cmpi eq, %iota3A, %eq3A_121 : vector<16xi32>
      %select_n3A_123 = arith.select %eq3A_122, %gather3A_119, %select_n3A_103 : vector<16xi1>, vector<16xf32>
      %add3A_124 = arith.constant 4 : i32
      %add3A_125 = arith.addi %multiple_of3A, %add3A_124 : i32
      %get3A_126 = arith.index_cast %add3A_125 : i32 to index
      %get3A_127 = arith.constant 0 : index
      %get3A_128 = tpu.vector_load %arg4[%get3A_126, %get3A_127] {strides = array<i32>} : memref<384x85xf32, #tpu.memory_space<vmem>>, vector<1x16xf32>,
      %get3A_129 = vector.shape_cast %get3A_128 : vector<1x16xf32> to vector<16xf32>
      %lt3A_130 = arith.constant 0 : i32
      %lt3A_131 = vector.broadcast %lt3A_130 : i32 to vector<16xi32>
      %lt3A_132 = arith.cmpi slt, %broadcast_in_dim3A_5, %lt3A_131 : vector<16xi32>
      %add3A_133 = arith.constant 16 : i32
      %add3A_134 = vector.broadcast %add3A_133 : i32 to vector<16xi32>
      %add3A_135 = arith.addi %broadcast_in_dim3A_5, %add3A_134 : vector<16xi32>
      %select_n3A_136 = arith.select %lt3A_132, %add3A_135, %broadcast_in_dim3A_5 : vector<16xi1>, vector<16xi32>
      %broadcast_in_dim3A_137 = vector.shape_cast %select_n3A_136 : vector<16xi32> to vector<16x1xi32>
      %gather3A_138 = vector.shape_cast %broadcast_in_dim3A_137 : vector<16x1xi32> to vector<16xi32>
      %gather3A_139 = tpu.dynamic_gather %get3A_129[%gather3A_138] in [0] : vector<16xf32>, vector<16xi32> -> vector<16xf32>
      %eq3A_140 = arith.constant 4 : i32
      %eq3A_141 = vector.broadcast %eq3A_140 : i32 to vector<16xi32>
      %eq3A_142 = arith.cmpi eq, %iota3A, %eq3A_141 : vector<16xi32>
      %select_n3A_143 = arith.select %eq3A_142, %gather3A_139, %select_n3A_123 : vector<16xi1>, vector<16xf32>
      %add3A_144 = arith.constant 5 : i32
      %add3A_145 = arith.addi %multiple_of3A, %add3A_144 : i32
      %get3A_146 = arith.index_cast %add3A_145 : i32 to index
      %get3A_147 = arith.constant 0 : index
      %get3A_148 = tpu.vector_load %arg4[%get3A_146, %get3A_147] {strides = array<i32>} : memref<384x85xf32, #tpu.memory_space<vmem>>, vector<1x16xf32>,
      %get3A_149 = vector.shape_cast %get3A_148 : vector<1x16xf32> to vector<16xf32>
      %lt3A_150 = arith.constant 0 : i32
      %lt3A_151 = vector.broadcast %lt3A_150 : i32 to vector<16xi32>
      %lt3A_152 = arith.cmpi slt, %broadcast_in_dim3A_5, %lt3A_151 : vector<16xi32>
      %add3A_153 = arith.constant 16 : i32
      %add3A_154 = vector.broadcast %add3A_153 : i32 to vector<16xi32>
      %add3A_155 = arith.addi %broadcast_in_dim3A_5, %add3A_154 : vector<16xi32>
      %select_n3A_156 = arith.select %lt3A_152, %add3A_155, %broadcast_in_dim3A_5 : vector<16xi1>, vector<16xi32>
      %broadcast_in_dim3A_157 = vector.shape_cast %select_n3A_156 : vector<16xi32> to vector<16x1xi32>
      %gather3A_158 = vector.shape_cast %broadcast_in_dim3A_157 : vector<16x1xi32> to vector<16xi32>
      %gather3A_159 = tpu.dynamic_gather %get3A_149[%gather3A_158] in [0] : vector<16xf32>, vector<16xi32> -> vector<16xf32>
      %eq3A_160 = arith.constant 5 : i32
      %eq3A_161 = vector.broadcast %eq3A_160 : i32 to vector<16xi32>
      %eq3A_162 = arith.cmpi eq, %iota3A, %eq3A_161 : vector<16xi32>
      %select_n3A_163 = arith.select %eq3A_162, %gather3A_159, %select_n3A_143 : vector<16xi1>, vector<16xf32>
      %add3A_164 = arith.constant 6 : i32
      %add3A_165 = arith.addi %multiple_of3A, %add3A_164 : i32
      %get3A_166 = arith.index_cast %add3A_165 : i32 to index
      %get3A_167 = arith.constant 0 : index
      %get3A_168 = tpu.vector_load %arg4[%get3A_166, %get3A_167] {strides = array<i32>} : memref<384x85xf32, #tpu.memory_space<vmem>>, vector<1x16xf32>,
      %get3A_169 = vector.shape_cast %get3A_168 : vector<1x16xf32> to vector<16xf32>
      %lt3A_170 = arith.constant 0 : i32
      %lt3A_171 = vector.broadcast %lt3A_170 : i32 to vector<16xi32>
      %lt3A_172 = arith.cmpi slt, %broadcast_in_dim3A_5, %lt3A_171 : vector<16xi32>
      %add3A_173 = arith.constant 16 : i32
      %add3A_174 = vector.broadcast %add3A_173 : i32 to vector<16xi32>
      %add3A_175 = arith.addi %broadcast_in_dim3A_5, %add3A_174 : vector<16xi32>
      %select_n3A_176 = arith.select %lt3A_172, %add3A_175, %broadcast_in_dim3A_5 : vector<16xi1>, vector<16xi32>
      %broadcast_in_dim3A_177 = vector.shape_cast %select_n3A_176 : vector<16xi32> to vector<16x1xi32>
      %gather3A_178 = vector.shape_cast %broadcast_in_dim3A_177 : vector<16x1xi32> to vector<16xi32>
      %gather3A_179 = tpu.dynamic_gather %get3A_169[%gather3A_178] in [0] : vector<16xf32>, vector<16xi32> -> vector<16xf32>
      %eq3A_180 = arith.constant 6 : i32
      %eq3A_181 = vector.broadcast %eq3A_180 : i32 to vector<16xi32>
      %eq3A_182 = arith.cmpi eq, %iota3A, %eq3A_181 : vector<16xi32>
      %select_n3A_183 = arith.select %eq3A_182, %gather3A_179, %select_n3A_163 : vector<16xi1>, vector<16xf32>
      %add3A_184 = arith.constant 7 : i32
      %add3A_185 = arith.addi %multiple_of3A, %add3A_184 : i32
      %get3A_186 = arith.index_cast %add3A_185 : i32 to index
      %get3A_187 = arith.constant 0 : index
      %get3A_188 = tpu.vector_load %arg4[%get3A_186, %get3A_187] {strides = array<i32>} : memref<384x85xf32, #tpu.memory_space<vmem>>, vector<1x16xf32>,
      %get3A_189 = vector.shape_cast %get3A_188 : vector<1x16xf32> to vector<16xf32>
      %lt3A_190 = arith.constant 0 : i32
      %lt3A_191 = vector.broadcast %lt3A_190 : i32 to vector<16xi32>
      %lt3A_192 = arith.cmpi slt, %broadcast_in_dim3A_5, %lt3A_191 : vector<16xi32>
      %add3A_193 = arith.constant 16 : i32
      %add3A_194 = vector.broadcast %add3A_193 : i32 to vector<16xi32>
      %add3A_195 = arith.addi %broadcast_in_dim3A_5, %add3A_194 : vector<16xi32>
      %select_n3A_196 = arith.select %lt3A_192, %add3A_195, %broadcast_in_dim3A_5 : vector<16xi1>, vector<16xi32>
      %broadcast_in_dim3A_197 = vector.shape_cast %select_n3A_196 : vector<16xi32> to vector<16x1xi32>
      %gather3A_198 = vector.shape_cast %broadcast_in_dim3A_197 : vector<16x1xi32> to vector<16xi32>
      %gather3A_199 = tpu.dynamic_gather %get3A_189[%gather3A_198] in [0] : vector<16xf32>, vector<16xi32> -> vector<16xf32>
      %eq3A_200 = arith.constant 7 : i32
      %eq3A_201 = vector.broadcast %eq3A_200 : i32 to vector<16xi32>
      %eq3A_202 = arith.cmpi eq, %iota3A, %eq3A_201 : vector<16xi32>
      %select_n3A_203 = arith.select %eq3A_202, %gather3A_199, %select_n3A_183 : vector<16xi1>, vector<16xf32>
      %add3A_204 = arith.constant 8 : i32
      %add3A_205 = arith.addi %multiple_of3A, %add3A_204 : i32
      %get3A_206 = arith.index_cast %add3A_205 : i32 to index
      %get3A_207 = arith.constant 0 : index
      %get3A_208 = tpu.vector_load %arg4[%get3A_206, %get3A_207] {strides = array<i32>} : memref<384x85xf32, #tpu.memory_space<vmem>>, vector<1x16xf32>,
      %get3A_209 = vector.shape_cast %get3A_208 : vector<1x16xf32> to vector<16xf32>
      %lt3A_210 = arith.constant 0 : i32
      %lt3A_211 = vector.broadcast %lt3A_210 : i32 to vector<16xi32>
      %lt3A_212 = arith.cmpi slt, %broadcast_in_dim3A_5, %lt3A_211 : vector<16xi32>
      %add3A_213 = arith.constant 16 : i32
      %add3A_214 = vector.broadcast %add3A_213 : i32 to vector<16xi32>
      %add3A_215 = arith.addi %broadcast_in_dim3A_5, %add3A_214 : vector<16xi32>
      %select_n3A_216 = arith.select %lt3A_212, %add3A_215, %broadcast_in_dim3A_5 : vector<16xi1>, vector<16xi32>
      %broadcast_in_dim3A_217 = vector.shape_cast %select_n3A_216 : vector<16xi32> to vector<16x1xi32>
      %gather3A_218 = vector.shape_cast %broadcast_in_dim3A_217 : vector<16x1xi32> to vector<16xi32>
      %gather3A_219 = tpu.dynamic_gather %get3A_209[%gather3A_218] in [0] : vector<16xf32>, vector<16xi32> -> vector<16xf32>
      %eq3A_220 = arith.constant 8 : i32
      %eq3A_221 = vector.broadcast %eq3A_220 : i32 to vector<16xi32>
      %eq3A_222 = arith.cmpi eq, %iota3A, %eq3A_221 : vector<16xi32>
      %select_n3A_223 = arith.select %eq3A_222, %gather3A_219, %select_n3A_203 : vector<16xi1>, vector<16xf32>
      %add3A_224 = arith.constant 9 : i32
      %add3A_225 = arith.addi %multiple_of3A, %add3A_224 : i32
      %get3A_226 = arith.index_cast %add3A_225 : i32 to index
      %get3A_227 = arith.constant 0 : index
      %get3A_228 = tpu.vector_load %arg4[%get3A_226, %get3A_227] {strides = array<i32>} : memref<384x85xf32, #tpu.memory_space<vmem>>, vector<1x16xf32>,
      %get3A_229 = vector.shape_cast %get3A_228 : vector<1x16xf32> to vector<16xf32>
      %lt3A_230 = arith.constant 0 : i32
      %lt3A_231 = vector.broadcast %lt3A_230 : i32 to vector<16xi32>
      %lt3A_232 = arith.cmpi slt, %broadcast_in_dim3A_5, %lt3A_231 : vector<16xi32>
      %add3A_233 = arith.constant 16 : i32
      %add3A_234 = vector.broadcast %add3A_233 : i32 to vector<16xi32>
      %add3A_235 = arith.addi %broadcast_in_dim3A_5, %add3A_234 : vector<16xi32>
      %select_n3A_236 = arith.select %lt3A_232, %add3A_235, %broadcast_in_dim3A_5 : vector<16xi1>, vector<16xi32>
      %broadcast_in_dim3A_237 = vector.shape_cast %select_n3A_236 : vector<16xi32> to vector<16x1xi32>
      %gather3A_238 = vector.shape_cast %broadcast_in_dim3A_237 : vector<16x1xi32> to vector<16xi32>
      %gather3A_239 = tpu.dynamic_gather %get3A_229[%gather3A_238] in [0] : vector<16xf32>, vector<16xi32> -> vector<16xf32>
      %eq3A_240 = arith.constant 9 : i32
      %eq3A_241 = vector.broadcast %eq3A_240 : i32 to vector<16xi32>
      %eq3A_242 = arith.cmpi eq, %iota3A, %eq3A_241 : vector<16xi32>
      %select_n3A_243 = arith.select %eq3A_242, %gather3A_239, %select_n3A_223 : vector<16xi1>, vector<16xf32>
      %add3A_244 = arith.constant 10 : i32
      %add3A_245 = arith.addi %multiple_of3A, %add3A_244 : i32
      %get3A_246 = arith.index_cast %add3A_245 : i32 to index
      %get3A_247 = arith.constant 0 : index
      %get3A_248 = tpu.vector_load %arg4[%get3A_246, %get3A_247] {strides = array<i32>} : memref<384x85xf32, #tpu.memory_space<vmem>>, vector<1x16xf32>,
      %get3A_249 = vector.shape_cast %get3A_248 : vector<1x16xf32> to vector<16xf32>
      %lt3A_250 = arith.constant 0 : i32
      %lt3A_251 = vector.broadcast %lt3A_250 : i32 to vector<16xi32>
      %lt3A_252 = arith.cmpi slt, %broadcast_in_dim3A_5, %lt3A_251 : vector<16xi32>
      %add3A_253 = arith.constant 16 : i32
      %add3A_254 = vector.broadcast %add3A_253 : i32 to vector<16xi32>
      %add3A_255 = arith.addi %broadcast_in_dim3A_5, %add3A_254 : vector<16xi32>
      %select_n3A_256 = arith.select %lt3A_252, %add3A_255, %broadcast_in_dim3A_5 : vector<16xi1>, vector<16xi32>
      %broadcast_in_dim3A_257 = vector.shape_cast %select_n3A_256 : vector<16xi32> to vector<16x1xi32>
      %gather3A_258 = vector.shape_cast %broadcast_in_dim3A_257 : vector<16x1xi32> to vector<16xi32>
      %gather3A_259 = tpu.dynamic_gather %get3A_249[%gather3A_258] in [0] : vector<16xf32>, vector<16xi32> -> vector<16xf32>
      %eq3A_260 = arith.constant 10 : i32
      %eq3A_261 = vector.broadcast %eq3A_260 : i32 to vector<16xi32>
      %eq3A_262 = arith.cmpi eq, %iota3A, %eq3A_261 : vector<16xi32>
      %select_n3A_263 = arith.select %eq3A_262, %gather3A_259, %select_n3A_243 : vector<16xi1>, vector<16xf32>
      %add3A_264 = arith.constant 11 : i32
      %add3A_265 = arith.addi %multiple_of3A, %add3A_264 : i32
      %get3A_266 = arith.index_cast %add3A_265 : i32 to index
      %get3A_267 = arith.constant 0 : index
      %get3A_268 = tpu.vector_load %arg4[%get3A_266, %get3A_267] {strides = array<i32>} : memref<384x85xf32, #tpu.memory_space<vmem>>, vector<1x16xf32>,
      %get3A_269 = vector.shape_cast %get3A_268 : vector<1x16xf32> to vector<16xf32>
      %lt3A_270 = arith.constant 0 : i32
      %lt3A_271 = vector.broadcast %lt3A_270 : i32 to vector<16xi32>
      %lt3A_272 = arith.cmpi slt, %broadcast_in_dim3A_5, %lt3A_271 : vector<16xi32>
      %add3A_273 = arith.constant 16 : i32
      %add3A_274 = vector.broadcast %add3A_273 : i32 to vector<16xi32>
      %add3A_275 = arith.addi %broadcast_in_dim3A_5, %add3A_274 : vector<16xi32>
      %select_n3A_276 = arith.select %lt3A_272, %add3A_275, %broadcast_in_dim3A_5 : vector<16xi1>, vector<16xi32>
      %broadcast_in_dim3A_277 = vector.shape_cast %select_n3A_276 : vector<16xi32> to vector<16x1xi32>
      %gather3A_278 = vector.shape_cast %broadcast_in_dim3A_277 : vector<16x1xi32> to vector<16xi32>
      %gather3A_279 = tpu.dynamic_gather %get3A_269[%gather3A_278] in [0] : vector<16xf32>, vector<16xi32> -> vector<16xf32>
      %eq3A_280 = arith.constant 11 : i32
      %eq3A_281 = vector.broadcast %eq3A_280 : i32 to vector<16xi32>
      %eq3A_282 = arith.cmpi eq, %iota3A, %eq3A_281 : vector<16xi32>
      %select_n3A_283 = arith.select %eq3A_282, %gather3A_279, %select_n3A_263 : vector<16xi1>, vector<16xf32>
      %add3A_284 = arith.constant 12 : i32
      %add3A_285 = arith.addi %multiple_of3A, %add3A_284 : i32
      %get3A_286 = arith.index_cast %add3A_285 : i32 to index
      %get3A_287 = arith.constant 0 : index
      %get3A_288 = tpu.vector_load %arg4[%get3A_286, %get3A_287] {strides = array<i32>} : memref<384x85xf32, #tpu.memory_space<vmem>>, vector<1x16xf32>,
      %get3A_289 = vector.shape_cast %get3A_288 : vector<1x16xf32> to vector<16xf32>
      %lt3A_290 = arith.constant 0 : i32
      %lt3A_291 = vector.broadcast %lt3A_290 : i32 to vector<16xi32>
      %lt3A_292 = arith.cmpi slt, %broadcast_in_dim3A_5, %lt3A_291 : vector<16xi32>
      %add3A_293 = arith.constant 16 : i32
      %add3A_294 = vector.broadcast %add3A_293 : i32 to vector<16xi32>
      %add3A_295 = arith.addi %broadcast_in_dim3A_5, %add3A_294 : vector<16xi32>
      %select_n3A_296 = arith.select %lt3A_292, %add3A_295, %broadcast_in_dim3A_5 : vector<16xi1>, vector<16xi32>
      %broadcast_in_dim3A_297 = vector.shape_cast %select_n3A_296 : vector<16xi32> to vector<16x1xi32>
      %gather3A_298 = vector.shape_cast %broadcast_in_dim3A_297 : vector<16x1xi32> to vector<16xi32>
      %gather3A_299 = tpu.dynamic_gather %get3A_289[%gather3A_298] in [0] : vector<16xf32>, vector<16xi32> -> vector<16xf32>
      %eq3A_300 = arith.constant 12 : i32
      %eq3A_301 = vector.broadcast %eq3A_300 : i32 to vector<16xi32>
      %eq3A_302 = arith.cmpi eq, %iota3A, %eq3A_301 : vector<16xi32>
      %select_n3A_303 = arith.select %eq3A_302, %gather3A_299, %select_n3A_283 : vector<16xi1>, vector<16xf32>
      %add3A_304 = arith.constant 13 : i32
      %add3A_305 = arith.addi %multiple_of3A, %add3A_304 : i32
      %get3A_306 = arith.index_cast %add3A_305 : i32 to index
      %get3A_307 = arith.constant 0 : index
      %get3A_308 = tpu.vector_load %arg4[%get3A_306, %get3A_307] {strides = array<i32>} : memref<384x85xf32, #tpu.memory_space<vmem>>, vector<1x16xf32>,
      %get3A_309 = vector.shape_cast %get3A_308 : vector<1x16xf32> to vector<16xf32>
      %lt3A_310 = arith.constant 0 : i32
      %lt3A_311 = vector.broadcast %lt3A_310 : i32 to vector<16xi32>
      %lt3A_312 = arith.cmpi slt, %broadcast_in_dim3A_5, %lt3A_311 : vector<16xi32>
      %add3A_313 = arith.constant 16 : i32
      %add3A_314 = vector.broadcast %add3A_313 : i32 to vector<16xi32>
      %add3A_315 = arith.addi %broadcast_in_dim3A_5, %add3A_314 : vector<16xi32>
      %select_n3A_316 = arith.select %lt3A_312, %add3A_315, %broadcast_in_dim3A_5 : vector<16xi1>, vector<16xi32>
      %broadcast_in_dim3A_317 = vector.shape_cast %select_n3A_316 : vector<16xi32> to vector<16x1xi32>
      %gather3A_318 = vector.shape_cast %broadcast_in_dim3A_317 : vector<16x1xi32> to vector<16xi32>
      %gather3A_319 = tpu.dynamic_gather %get3A_309[%gather3A_318] in [0] : vector<16xf32>, vector<16xi32> -> vector<16xf32>
      %eq3A_320 = arith.constant 13 : i32
      %eq3A_321 = vector.broadcast %eq3A_320 : i32 to vector<16xi32>
      %eq3A_322 = arith.cmpi eq, %iota3A, %eq3A_321 : vector<16xi32>
      %select_n3A_323 = arith.select %eq3A_322, %gather3A_319, %select_n3A_303 : vector<16xi1>, vector<16xf32>
      %add3A_324 = arith.constant 14 : i32
      %add3A_325 = arith.addi %multiple_of3A, %add3A_324 : i32
      %get3A_326 = arith.index_cast %add3A_325 : i32 to index
      %get3A_327 = arith.constant 0 : index
      %get3A_328 = tpu.vector_load %arg4[%get3A_326, %get3A_327] {strides = array<i32>} : memref<384x85xf32, #tpu.memory_space<vmem>>, vector<1x16xf32>,
      %get3A_329 = vector.shape_cast %get3A_328 : vector<1x16xf32> to vector<16xf32>
      %lt3A_330 = arith.constant 0 : i32
      %lt3A_331 = vector.broadcast %lt3A_330 : i32 to vector<16xi32>
      %lt3A_332 = arith.cmpi slt, %broadcast_in_dim3A_5, %lt3A_331 : vector<16xi32>
      %add3A_333 = arith.constant 16 : i32
      %add3A_334 = vector.broadcast %add3A_333 : i32 to vector<16xi32>
      %add3A_335 = arith.addi %broadcast_in_dim3A_5, %add3A_334 : vector<16xi32>
      %select_n3A_336 = arith.select %lt3A_332, %add3A_335, %broadcast_in_dim3A_5 : vector<16xi1>, vector<16xi32>
      %broadcast_in_dim3A_337 = vector.shape_cast %select_n3A_336 : vector<16xi32> to vector<16x1xi32>
      %gather3A_338 = vector.shape_cast %broadcast_in_dim3A_337 : vector<16x1xi32> to vector<16xi32>
      %gather3A_339 = tpu.dynamic_gather %get3A_329[%gather3A_338] in [0] : vector<16xf32>, vector<16xi32> -> vector<16xf32>
      %eq3A_340 = arith.constant 14 : i32
      %eq3A_341 = vector.broadcast %eq3A_340 : i32 to vector<16xi32>
      %eq3A_342 = arith.cmpi eq, %iota3A, %eq3A_341 : vector<16xi32>
      %select_n3A_343 = arith.select %eq3A_342, %gather3A_339, %select_n3A_323 : vector<16xi1>, vector<16xf32>
      %add3A_344 = arith.constant 15 : i32
      %add3A_345 = arith.addi %multiple_of3A, %add3A_344 : i32
      %get3A_346 = arith.index_cast %add3A_345 : i32 to index
      %get3A_347 = arith.constant 0 : index
      %get3A_348 = tpu.vector_load %arg4[%get3A_346, %get3A_347] {strides = array<i32>} : memref<384x85xf32, #tpu.memory_space<vmem>>, vector<1x16xf32>,
      %get3A_349 = vector.shape_cast %get3A_348 : vector<1x16xf32> to vector<16xf32>
      %lt3A_350 = arith.constant 0 : i32
      %lt3A_351 = vector.broadcast %lt3A_350 : i32 to vector<16xi32>
      %lt3A_352 = arith.cmpi slt, %broadcast_in_dim3A_5, %lt3A_351 : vector<16xi32>
      %add3A_353 = arith.constant 16 : i32
      %add3A_354 = vector.broadcast %add3A_353 : i32 to vector<16xi32>
      %add3A_355 = arith.addi %broadcast_in_dim3A_5, %add3A_354 : vector<16xi32>
      %select_n3A_356 = arith.select %lt3A_352, %add3A_355, %broadcast_in_dim3A_5 : vector<16xi1>, vector<16xi32>
      %broadcast_in_dim3A_357 = vector.shape_cast %select_n3A_356 : vector<16xi32> to vector<16x1xi32>
      %gather3A_358 = vector.shape_cast %broadcast_in_dim3A_357 : vector<16x1xi32> to vector<16xi32>
      %gather3A_359 = tpu.dynamic_gather %get3A_349[%gather3A_358] in [0] : vector<16xf32>, vector<16xi32> -> vector<16xf32>
      %eq3A_360 = arith.constant 15 : i32
      %eq3A_361 = vector.broadcast %eq3A_360 : i32 to vector<16xi32>
      %eq3A_362 = arith.cmpi eq, %iota3A, %eq3A_361 : vector<16xi32>
      %select_n3A_363 = arith.select %eq3A_362, %gather3A_359, %select_n3A_343 : vector<16xi1>, vector<16xf32>
      %add3A_364 = arith.constant 0 : i32
      %add3A_365 = arith.addi %add3A_364, %multiple_of3A : i32
      %swap3A = arith.index_cast %add3A_365 : i32 to index
      %swap3A_366 = tpu.vector_load %arg6[%swap3A] {strides = array<i32>} : memref<768xf32, #tpu.memory_space<vmem>>, vector<16xf32>,
      %swap3A_367 = vector.shape_cast %swap3A_366 : vector<16xf32> to vector<16xf32>
      %swap3A_368 = vector.shape_cast %select_n3A_363 : vector<16xf32> to vector<16xf32>
      tpu.vector_store %arg6[%swap3A], %swap3A_368 {strides = array<i32>} : memref<768xf32, #tpu.memory_space<vmem>>, vector<16xf32>,
      %scan3A_369 = arith.constant 0 : i32
      scf.yield %scan3A_369 : i32
    }
    %scan3A_27 = arith.constant 24 : i32
    %add3A_28 = arith.constant 384 : i32
    %add3A_29 = arith.addi %add3A_4, %add3A_28 : i32
    %dma_wait3A_30 = arith.constant 0 : i32
    %dma_wait3A_31 = tpu.memref_slice %arg2[%add3A_29, %dma_wait3A_30] : memref<49152x85xf32, #tpu.memory_space<hbm>> -> memref<384x85xf32, #tpu.memory_space<hbm>>
    %dma_wait3A_32 = arith.constant 0 : i32
    %dma_wait3A_33 = tpu.memref_slice %arg2[%add3A_29, %dma_wait3A_32] : memref<49152x85xf32, #tpu.memory_space<hbm>> -> memref<384x85xf32, #tpu.memory_space<hbm>>
    tpu.wait_dma2 semaphore(%arg8 : memref<!tpu.dma_semaphore, #tpu.memory_space<semaphore_mem>>) src(%dma_wait3A_33 : memref<384x85xf32, #tpu.memory_space<hbm>>) dst(%arg5 : memref<384x85xf32, #tpu.memory_space<vmem>>)
    %scan3A_34 = arith.constant 0 : i32
    %scan3A_35 = arith.constant 0 : i32
    %scan3A_36 = arith.constant 24 : i32
    %scan3A_37 = arith.addi %scan3A_35, %scan3A_36 : i32
    %scan3A_38 = arith.constant 1 : i32
    %scan3A_39 = scf.for %scan3A_43 = %scan3A_35 to %scan3A_37 step %scan3A_38 iter_args(%scan3A_44 = %scan3A_34) -> (i32)  : i32 {
      %mul3A_45 = arith.constant 16 : i32
      %mul3A_46 = arith.muli %scan3A_43, %mul3A_45 : i32
      %multiple_of3A = tpu.assume_multiple %mul3A_46, 16 : i32
      %broadcast_in_dim3A_47 = arith.constant 0.000000e+00 : f32
      %broadcast_in_dim3A_48 = vector.broadcast %broadcast_in_dim3A_47 : f32 to vector<16xf32>
      %add3A_49 = arith.constant 0 : i32
      %add3A_50 = arith.addi %multiple_of3A, %add3A_49 : i32
      %get3A = arith.index_cast %add3A_50 : i32 to index
      %get3A_51 = arith.constant 0 : index
      %get3A_52 = tpu.vector_load %arg5[%get3A, %get3A_51] {strides = array<i32>} : memref<384x85xf32, #tpu.memory_space<vmem>>, vector<1x16xf32>,
      %get3A_53 = vector.shape_cast %get3A_52 : vector<1x16xf32> to vector<16xf32>
      %lt3A = arith.constant 0 : i32
      %lt3A_54 = vector.broadcast %lt3A : i32 to vector<16xi32>
      %lt3A_55 = arith.cmpi slt, %broadcast_in_dim3A_5, %lt3A_54 : vector<16xi32>
      %add3A_56 = arith.constant 16 : i32
      %add3A_57 = vector.broadcast %add3A_56 : i32 to vector<16xi32>
      %add3A_58 = arith.addi %broadcast_in_dim3A_5, %add3A_57 : vector<16xi32>
      %select_n3A = arith.select %lt3A_55, %add3A_58, %broadcast_in_dim3A_5 : vector<16xi1>, vector<16xi32>
      %broadcast_in_dim3A_59 = vector.shape_cast %select_n3A : vector<16xi32> to vector<16x1xi32>
      %gather3A = vector.shape_cast %broadcast_in_dim3A_59 : vector<16x1xi32> to vector<16xi32>
      %gather3A_60 = tpu.dynamic_gather %get3A_53[%gather3A] in [0] : vector<16xf32>, vector<16xi32> -> vector<16xf32>
      %eq3A = arith.constant 0 : i32
      %eq3A_61 = vector.broadcast %eq3A : i32 to vector<16xi32>
      %eq3A_62 = arith.cmpi eq, %iota3A, %eq3A_61 : vector<16xi32>
      %select_n3A_63 = arith.select %eq3A_62, %gather3A_60, %broadcast_in_dim3A_48 : vector<16xi1>, vector<16xf32>
      %add3A_64 = arith.constant 1 : i32
      %add3A_65 = arith.addi %multiple_of3A, %add3A_64 : i32
      %get3A_66 = arith.index_cast %add3A_65 : i32 to index
      %get3A_67 = arith.constant 0 : index
      %get3A_68 = tpu.vector_load %arg5[%get3A_66, %get3A_67] {strides = array<i32>} : memref<384x85xf32, #tpu.memory_space<vmem>>, vector<1x16xf32>,
      %get3A_69 = vector.shape_cast %get3A_68 : vector<1x16xf32> to vector<16xf32>
      %lt3A_70 = arith.constant 0 : i32
      %lt3A_71 = vector.broadcast %lt3A_70 : i32 to vector<16xi32>
      %lt3A_72 = arith.cmpi slt, %broadcast_in_dim3A_5, %lt3A_71 : vector<16xi32>
      %add3A_73 = arith.constant 16 : i32
      %add3A_74 = vector.broadcast %add3A_73 : i32 to vector<16xi32>
      %add3A_75 = arith.addi %broadcast_in_dim3A_5, %add3A_74 : vector<16xi32>
      %select_n3A_76 = arith.select %lt3A_72, %add3A_75, %broadcast_in_dim3A_5 : vector<16xi1>, vector<16xi32>
      %broadcast_in_dim3A_77 = vector.shape_cast %select_n3A_76 : vector<16xi32> to vector<16x1xi32>
      %gather3A_78 = vector.shape_cast %broadcast_in_dim3A_77 : vector<16x1xi32> to vector<16xi32>
      %gather3A_79 = tpu.dynamic_gather %get3A_69[%gather3A_78] in [0] : vector<16xf32>, vector<16xi32> -> vector<16xf32>
      %eq3A_80 = arith.constant 1 : i32
      %eq3A_81 = vector.broadcast %eq3A_80 : i32 to vector<16xi32>
      %eq3A_82 = arith.cmpi eq, %iota3A, %eq3A_81 : vector<16xi32>
      %select_n3A_83 = arith.select %eq3A_82, %gather3A_79, %select_n3A_63 : vector<16xi1>, vector<16xf32>
      %add3A_84 = arith.constant 2 : i32
      %add3A_85 = arith.addi %multiple_of3A, %add3A_84 : i32
      %get3A_86 = arith.index_cast %add3A_85 : i32 to index
      %get3A_87 = arith.constant 0 : index
      %get3A_88 = tpu.vector_load %arg5[%get3A_86, %get3A_87] {strides = array<i32>} : memref<384x85xf32, #tpu.memory_space<vmem>>, vector<1x16xf32>,
      %get3A_89 = vector.shape_cast %get3A_88 : vector<1x16xf32> to vector<16xf32>
      %lt3A_90 = arith.constant 0 : i32
      %lt3A_91 = vector.broadcast %lt3A_90 : i32 to vector<16xi32>
      %lt3A_92 = arith.cmpi slt, %broadcast_in_dim3A_5, %lt3A_91 : vector<16xi32>
      %add3A_93 = arith.constant 16 : i32
      %add3A_94 = vector.broadcast %add3A_93 : i32 to vector<16xi32>
      %add3A_95 = arith.addi %broadcast_in_dim3A_5, %add3A_94 : vector<16xi32>
      %select_n3A_96 = arith.select %lt3A_92, %add3A_95, %broadcast_in_dim3A_5 : vector<16xi1>, vector<16xi32>
      %broadcast_in_dim3A_97 = vector.shape_cast %select_n3A_96 : vector<16xi32> to vector<16x1xi32>
      %gather3A_98 = vector.shape_cast %broadcast_in_dim3A_97 : vector<16x1xi32> to vector<16xi32>
      %gather3A_99 = tpu.dynamic_gather %get3A_89[%gather3A_98] in [0] : vector<16xf32>, vector<16xi32> -> vector<16xf32>
      %eq3A_100 = arith.constant 2 : i32
      %eq3A_101 = vector.broadcast %eq3A_100 : i32 to vector<16xi32>
      %eq3A_102 = arith.cmpi eq, %iota3A, %eq3A_101 : vector<16xi32>
      %select_n3A_103 = arith.select %eq3A_102, %gather3A_99, %select_n3A_83 : vector<16xi1>, vector<16xf32>
      %add3A_104 = arith.constant 3 : i32
      %add3A_105 = arith.addi %multiple_of3A, %add3A_104 : i32
      %get3A_106 = arith.index_cast %add3A_105 : i32 to index
      %get3A_107 = arith.constant 0 : index
      %get3A_108 = tpu.vector_load %arg5[%get3A_106, %get3A_107] {strides = array<i32>} : memref<384x85xf32, #tpu.memory_space<vmem>>, vector<1x16xf32>,
      %get3A_109 = vector.shape_cast %get3A_108 : vector<1x16xf32> to vector<16xf32>
      %lt3A_110 = arith.constant 0 : i32
      %lt3A_111 = vector.broadcast %lt3A_110 : i32 to vector<16xi32>
      %lt3A_112 = arith.cmpi slt, %broadcast_in_dim3A_5, %lt3A_111 : vector<16xi32>
      %add3A_113 = arith.constant 16 : i32
      %add3A_114 = vector.broadcast %add3A_113 : i32 to vector<16xi32>
      %add3A_115 = arith.addi %broadcast_in_dim3A_5, %add3A_114 : vector<16xi32>
      %select_n3A_116 = arith.select %lt3A_112, %add3A_115, %broadcast_in_dim3A_5 : vector<16xi1>, vector<16xi32>
      %broadcast_in_dim3A_117 = vector.shape_cast %select_n3A_116 : vector<16xi32> to vector<16x1xi32>
      %gather3A_118 = vector.shape_cast %broadcast_in_dim3A_117 : vector<16x1xi32> to vector<16xi32>
      %gather3A_119 = tpu.dynamic_gather %get3A_109[%gather3A_118] in [0] : vector<16xf32>, vector<16xi32> -> vector<16xf32>
      %eq3A_120 = arith.constant 3 : i32
      %eq3A_121 = vector.broadcast %eq3A_120 : i32 to vector<16xi32>
      %eq3A_122 = arith.cmpi eq, %iota3A, %eq3A_121 : vector<16xi32>
      %select_n3A_123 = arith.select %eq3A_122, %gather3A_119, %select_n3A_103 : vector<16xi1>, vector<16xf32>
      %add3A_124 = arith.constant 4 : i32
      %add3A_125 = arith.addi %multiple_of3A, %add3A_124 : i32
      %get3A_126 = arith.index_cast %add3A_125 : i32 to index
      %get3A_127 = arith.constant 0 : index
      %get3A_128 = tpu.vector_load %arg5[%get3A_126, %get3A_127] {strides = array<i32>} : memref<384x85xf32, #tpu.memory_space<vmem>>, vector<1x16xf32>,
      %get3A_129 = vector.shape_cast %get3A_128 : vector<1x16xf32> to vector<16xf32>
      %lt3A_130 = arith.constant 0 : i32
      %lt3A_131 = vector.broadcast %lt3A_130 : i32 to vector<16xi32>
      %lt3A_132 = arith.cmpi slt, %broadcast_in_dim3A_5, %lt3A_131 : vector<16xi32>
      %add3A_133 = arith.constant 16 : i32
      %add3A_134 = vector.broadcast %add3A_133 : i32 to vector<16xi32>
      %add3A_135 = arith.addi %broadcast_in_dim3A_5, %add3A_134 : vector<16xi32>
      %select_n3A_136 = arith.select %lt3A_132, %add3A_135, %broadcast_in_dim3A_5 : vector<16xi1>, vector<16xi32>
      %broadcast_in_dim3A_137 = vector.shape_cast %select_n3A_136 : vector<16xi32> to vector<16x1xi32>
      %gather3A_138 = vector.shape_cast %broadcast_in_dim3A_137 : vector<16x1xi32> to vector<16xi32>
      %gather3A_139 = tpu.dynamic_gather %get3A_129[%gather3A_138] in [0] : vector<16xf32>, vector<16xi32> -> vector<16xf32>
      %eq3A_140 = arith.constant 4 : i32
      %eq3A_141 = vector.broadcast %eq3A_140 : i32 to vector<16xi32>
      %eq3A_142 = arith.cmpi eq, %iota3A, %eq3A_141 : vector<16xi32>
      %select_n3A_143 = arith.select %eq3A_142, %gather3A_139, %select_n3A_123 : vector<16xi1>, vector<16xf32>
      %add3A_144 = arith.constant 5 : i32
      %add3A_145 = arith.addi %multiple_of3A, %add3A_144 : i32
      %get3A_146 = arith.index_cast %add3A_145 : i32 to index
      %get3A_147 = arith.constant 0 : index
      %get3A_148 = tpu.vector_load %arg5[%get3A_146, %get3A_147] {strides = array<i32>} : memref<384x85xf32, #tpu.memory_space<vmem>>, vector<1x16xf32>,
      %get3A_149 = vector.shape_cast %get3A_148 : vector<1x16xf32> to vector<16xf32>
      %lt3A_150 = arith.constant 0 : i32
      %lt3A_151 = vector.broadcast %lt3A_150 : i32 to vector<16xi32>
      %lt3A_152 = arith.cmpi slt, %broadcast_in_dim3A_5, %lt3A_151 : vector<16xi32>
      %add3A_153 = arith.constant 16 : i32
      %add3A_154 = vector.broadcast %add3A_153 : i32 to vector<16xi32>
      %add3A_155 = arith.addi %broadcast_in_dim3A_5, %add3A_154 : vector<16xi32>
      %select_n3A_156 = arith.select %lt3A_152, %add3A_155, %broadcast_in_dim3A_5 : vector<16xi1>, vector<16xi32>
      %broadcast_in_dim3A_157 = vector.shape_cast %select_n3A_156 : vector<16xi32> to vector<16x1xi32>
      %gather3A_158 = vector.shape_cast %broadcast_in_dim3A_157 : vector<16x1xi32> to vector<16xi32>
      %gather3A_159 = tpu.dynamic_gather %get3A_149[%gather3A_158] in [0] : vector<16xf32>, vector<16xi32> -> vector<16xf32>
      %eq3A_160 = arith.constant 5 : i32
      %eq3A_161 = vector.broadcast %eq3A_160 : i32 to vector<16xi32>
      %eq3A_162 = arith.cmpi eq, %iota3A, %eq3A_161 : vector<16xi32>
      %select_n3A_163 = arith.select %eq3A_162, %gather3A_159, %select_n3A_143 : vector<16xi1>, vector<16xf32>
      %add3A_164 = arith.constant 6 : i32
      %add3A_165 = arith.addi %multiple_of3A, %add3A_164 : i32
      %get3A_166 = arith.index_cast %add3A_165 : i32 to index
      %get3A_167 = arith.constant 0 : index
      %get3A_168 = tpu.vector_load %arg5[%get3A_166, %get3A_167] {strides = array<i32>} : memref<384x85xf32, #tpu.memory_space<vmem>>, vector<1x16xf32>,
      %get3A_169 = vector.shape_cast %get3A_168 : vector<1x16xf32> to vector<16xf32>
      %lt3A_170 = arith.constant 0 : i32
      %lt3A_171 = vector.broadcast %lt3A_170 : i32 to vector<16xi32>
      %lt3A_172 = arith.cmpi slt, %broadcast_in_dim3A_5, %lt3A_171 : vector<16xi32>
      %add3A_173 = arith.constant 16 : i32
      %add3A_174 = vector.broadcast %add3A_173 : i32 to vector<16xi32>
      %add3A_175 = arith.addi %broadcast_in_dim3A_5, %add3A_174 : vector<16xi32>
      %select_n3A_176 = arith.select %lt3A_172, %add3A_175, %broadcast_in_dim3A_5 : vector<16xi1>, vector<16xi32>
      %broadcast_in_dim3A_177 = vector.shape_cast %select_n3A_176 : vector<16xi32> to vector<16x1xi32>
      %gather3A_178 = vector.shape_cast %broadcast_in_dim3A_177 : vector<16x1xi32> to vector<16xi32>
      %gather3A_179 = tpu.dynamic_gather %get3A_169[%gather3A_178] in [0] : vector<16xf32>, vector<16xi32> -> vector<16xf32>
      %eq3A_180 = arith.constant 6 : i32
      %eq3A_181 = vector.broadcast %eq3A_180 : i32 to vector<16xi32>
      %eq3A_182 = arith.cmpi eq, %iota3A, %eq3A_181 : vector<16xi32>
      %select_n3A_183 = arith.select %eq3A_182, %gather3A_179, %select_n3A_163 : vector<16xi1>, vector<16xf32>
      %add3A_184 = arith.constant 7 : i32
      %add3A_185 = arith.addi %multiple_of3A, %add3A_184 : i32
      %get3A_186 = arith.index_cast %add3A_185 : i32 to index
      %get3A_187 = arith.constant 0 : index
      %get3A_188 = tpu.vector_load %arg5[%get3A_186, %get3A_187] {strides = array<i32>} : memref<384x85xf32, #tpu.memory_space<vmem>>, vector<1x16xf32>,
      %get3A_189 = vector.shape_cast %get3A_188 : vector<1x16xf32> to vector<16xf32>
      %lt3A_190 = arith.constant 0 : i32
      %lt3A_191 = vector.broadcast %lt3A_190 : i32 to vector<16xi32>
      %lt3A_192 = arith.cmpi slt, %broadcast_in_dim3A_5, %lt3A_191 : vector<16xi32>
      %add3A_193 = arith.constant 16 : i32
      %add3A_194 = vector.broadcast %add3A_193 : i32 to vector<16xi32>
      %add3A_195 = arith.addi %broadcast_in_dim3A_5, %add3A_194 : vector<16xi32>
      %select_n3A_196 = arith.select %lt3A_192, %add3A_195, %broadcast_in_dim3A_5 : vector<16xi1>, vector<16xi32>
      %broadcast_in_dim3A_197 = vector.shape_cast %select_n3A_196 : vector<16xi32> to vector<16x1xi32>
      %gather3A_198 = vector.shape_cast %broadcast_in_dim3A_197 : vector<16x1xi32> to vector<16xi32>
      %gather3A_199 = tpu.dynamic_gather %get3A_189[%gather3A_198] in [0] : vector<16xf32>, vector<16xi32> -> vector<16xf32>
      %eq3A_200 = arith.constant 7 : i32
      %eq3A_201 = vector.broadcast %eq3A_200 : i32 to vector<16xi32>
      %eq3A_202 = arith.cmpi eq, %iota3A, %eq3A_201 : vector<16xi32>
      %select_n3A_203 = arith.select %eq3A_202, %gather3A_199, %select_n3A_183 : vector<16xi1>, vector<16xf32>
      %add3A_204 = arith.constant 8 : i32
      %add3A_205 = arith.addi %multiple_of3A, %add3A_204 : i32
      %get3A_206 = arith.index_cast %add3A_205 : i32 to index
      %get3A_207 = arith.constant 0 : index
      %get3A_208 = tpu.vector_load %arg5[%get3A_206, %get3A_207] {strides = array<i32>} : memref<384x85xf32, #tpu.memory_space<vmem>>, vector<1x16xf32>,
      %get3A_209 = vector.shape_cast %get3A_208 : vector<1x16xf32> to vector<16xf32>
      %lt3A_210 = arith.constant 0 : i32
      %lt3A_211 = vector.broadcast %lt3A_210 : i32 to vector<16xi32>
      %lt3A_212 = arith.cmpi slt, %broadcast_in_dim3A_5, %lt3A_211 : vector<16xi32>
      %add3A_213 = arith.constant 16 : i32
      %add3A_214 = vector.broadcast %add3A_213 : i32 to vector<16xi32>
      %add3A_215 = arith.addi %broadcast_in_dim3A_5, %add3A_214 : vector<16xi32>
      %select_n3A_216 = arith.select %lt3A_212, %add3A_215, %broadcast_in_dim3A_5 : vector<16xi1>, vector<16xi32>
      %broadcast_in_dim3A_217 = vector.shape_cast %select_n3A_216 : vector<16xi32> to vector<16x1xi32>
      %gather3A_218 = vector.shape_cast %broadcast_in_dim3A_217 : vector<16x1xi32> to vector<16xi32>
      %gather3A_219 = tpu.dynamic_gather %get3A_209[%gather3A_218] in [0] : vector<16xf32>, vector<16xi32> -> vector<16xf32>
      %eq3A_220 = arith.constant 8 : i32
      %eq3A_221 = vector.broadcast %eq3A_220 : i32 to vector<16xi32>
      %eq3A_222 = arith.cmpi eq, %iota3A, %eq3A_221 : vector<16xi32>
      %select_n3A_223 = arith.select %eq3A_222, %gather3A_219, %select_n3A_203 : vector<16xi1>, vector<16xf32>
      %add3A_224 = arith.constant 9 : i32
      %add3A_225 = arith.addi %multiple_of3A, %add3A_224 : i32
      %get3A_226 = arith.index_cast %add3A_225 : i32 to index
      %get3A_227 = arith.constant 0 : index
      %get3A_228 = tpu.vector_load %arg5[%get3A_226, %get3A_227] {strides = array<i32>} : memref<384x85xf32, #tpu.memory_space<vmem>>, vector<1x16xf32>,
      %get3A_229 = vector.shape_cast %get3A_228 : vector<1x16xf32> to vector<16xf32>
      %lt3A_230 = arith.constant 0 : i32
      %lt3A_231 = vector.broadcast %lt3A_230 : i32 to vector<16xi32>
      %lt3A_232 = arith.cmpi slt, %broadcast_in_dim3A_5, %lt3A_231 : vector<16xi32>
      %add3A_233 = arith.constant 16 : i32
      %add3A_234 = vector.broadcast %add3A_233 : i32 to vector<16xi32>
      %add3A_235 = arith.addi %broadcast_in_dim3A_5, %add3A_234 : vector<16xi32>
      %select_n3A_236 = arith.select %lt3A_232, %add3A_235, %broadcast_in_dim3A_5 : vector<16xi1>, vector<16xi32>
      %broadcast_in_dim3A_237 = vector.shape_cast %select_n3A_236 : vector<16xi32> to vector<16x1xi32>
      %gather3A_238 = vector.shape_cast %broadcast_in_dim3A_237 : vector<16x1xi32> to vector<16xi32>
      %gather3A_239 = tpu.dynamic_gather %get3A_229[%gather3A_238] in [0] : vector<16xf32>, vector<16xi32> -> vector<16xf32>
      %eq3A_240 = arith.constant 9 : i32
      %eq3A_241 = vector.broadcast %eq3A_240 : i32 to vector<16xi32>
      %eq3A_242 = arith.cmpi eq, %iota3A, %eq3A_241 : vector<16xi32>
      %select_n3A_243 = arith.select %eq3A_242, %gather3A_239, %select_n3A_223 : vector<16xi1>, vector<16xf32>
      %add3A_244 = arith.constant 10 : i32
      %add3A_245 = arith.addi %multiple_of3A, %add3A_244 : i32
      %get3A_246 = arith.index_cast %add3A_245 : i32 to index
      %get3A_247 = arith.constant 0 : index
      %get3A_248 = tpu.vector_load %arg5[%get3A_246, %get3A_247] {strides = array<i32>} : memref<384x85xf32, #tpu.memory_space<vmem>>, vector<1x16xf32>,
      %get3A_249 = vector.shape_cast %get3A_248 : vector<1x16xf32> to vector<16xf32>
      %lt3A_250 = arith.constant 0 : i32
      %lt3A_251 = vector.broadcast %lt3A_250 : i32 to vector<16xi32>
      %lt3A_252 = arith.cmpi slt, %broadcast_in_dim3A_5, %lt3A_251 : vector<16xi32>
      %add3A_253 = arith.constant 16 : i32
      %add3A_254 = vector.broadcast %add3A_253 : i32 to vector<16xi32>
      %add3A_255 = arith.addi %broadcast_in_dim3A_5, %add3A_254 : vector<16xi32>
      %select_n3A_256 = arith.select %lt3A_252, %add3A_255, %broadcast_in_dim3A_5 : vector<16xi1>, vector<16xi32>
      %broadcast_in_dim3A_257 = vector.shape_cast %select_n3A_256 : vector<16xi32> to vector<16x1xi32>
      %gather3A_258 = vector.shape_cast %broadcast_in_dim3A_257 : vector<16x1xi32> to vector<16xi32>
      %gather3A_259 = tpu.dynamic_gather %get3A_249[%gather3A_258] in [0] : vector<16xf32>, vector<16xi32> -> vector<16xf32>
      %eq3A_260 = arith.constant 10 : i32
      %eq3A_261 = vector.broadcast %eq3A_260 : i32 to vector<16xi32>
      %eq3A_262 = arith.cmpi eq, %iota3A, %eq3A_261 : vector<16xi32>
      %select_n3A_263 = arith.select %eq3A_262, %gather3A_259, %select_n3A_243 : vector<16xi1>, vector<16xf32>
      %add3A_264 = arith.constant 11 : i32
      %add3A_265 = arith.addi %multiple_of3A, %add3A_264 : i32
      %get3A_266 = arith.index_cast %add3A_265 : i32 to index
      %get3A_267 = arith.constant 0 : index
      %get3A_268 = tpu.vector_load %arg5[%get3A_266, %get3A_267] {strides = array<i32>} : memref<384x85xf32, #tpu.memory_space<vmem>>, vector<1x16xf32>,
      %get3A_269 = vector.shape_cast %get3A_268 : vector<1x16xf32> to vector<16xf32>
      %lt3A_270 = arith.constant 0 : i32
      %lt3A_271 = vector.broadcast %lt3A_270 : i32 to vector<16xi32>
      %lt3A_272 = arith.cmpi slt, %broadcast_in_dim3A_5, %lt3A_271 : vector<16xi32>
      %add3A_273 = arith.constant 16 : i32
      %add3A_274 = vector.broadcast %add3A_273 : i32 to vector<16xi32>
      %add3A_275 = arith.addi %broadcast_in_dim3A_5, %add3A_274 : vector<16xi32>
      %select_n3A_276 = arith.select %lt3A_272, %add3A_275, %broadcast_in_dim3A_5 : vector<16xi1>, vector<16xi32>
      %broadcast_in_dim3A_277 = vector.shape_cast %select_n3A_276 : vector<16xi32> to vector<16x1xi32>
      %gather3A_278 = vector.shape_cast %broadcast_in_dim3A_277 : vector<16x1xi32> to vector<16xi32>
      %gather3A_279 = tpu.dynamic_gather %get3A_269[%gather3A_278] in [0] : vector<16xf32>, vector<16xi32> -> vector<16xf32>
      %eq3A_280 = arith.constant 11 : i32
      %eq3A_281 = vector.broadcast %eq3A_280 : i32 to vector<16xi32>
      %eq3A_282 = arith.cmpi eq, %iota3A, %eq3A_281 : vector<16xi32>
      %select_n3A_283 = arith.select %eq3A_282, %gather3A_279, %select_n3A_263 : vector<16xi1>, vector<16xf32>
      %add3A_284 = arith.constant 12 : i32
      %add3A_285 = arith.addi %multiple_of3A, %add3A_284 : i32
      %get3A_286 = arith.index_cast %add3A_285 : i32 to index
      %get3A_287 = arith.constant 0 : index
      %get3A_288 = tpu.vector_load %arg5[%get3A_286, %get3A_287] {strides = array<i32>} : memref<384x85xf32, #tpu.memory_space<vmem>>, vector<1x16xf32>,
      %get3A_289 = vector.shape_cast %get3A_288 : vector<1x16xf32> to vector<16xf32>
      %lt3A_290 = arith.constant 0 : i32
      %lt3A_291 = vector.broadcast %lt3A_290 : i32 to vector<16xi32>
      %lt3A_292 = arith.cmpi slt, %broadcast_in_dim3A_5, %lt3A_291 : vector<16xi32>
      %add3A_293 = arith.constant 16 : i32
      %add3A_294 = vector.broadcast %add3A_293 : i32 to vector<16xi32>
      %add3A_295 = arith.addi %broadcast_in_dim3A_5, %add3A_294 : vector<16xi32>
      %select_n3A_296 = arith.select %lt3A_292, %add3A_295, %broadcast_in_dim3A_5 : vector<16xi1>, vector<16xi32>
      %broadcast_in_dim3A_297 = vector.shape_cast %select_n3A_296 : vector<16xi32> to vector<16x1xi32>
      %gather3A_298 = vector.shape_cast %broadcast_in_dim3A_297 : vector<16x1xi32> to vector<16xi32>
      %gather3A_299 = tpu.dynamic_gather %get3A_289[%gather3A_298] in [0] : vector<16xf32>, vector<16xi32> -> vector<16xf32>
      %eq3A_300 = arith.constant 12 : i32
      %eq3A_301 = vector.broadcast %eq3A_300 : i32 to vector<16xi32>
      %eq3A_302 = arith.cmpi eq, %iota3A, %eq3A_301 : vector<16xi32>
      %select_n3A_303 = arith.select %eq3A_302, %gather3A_299, %select_n3A_283 : vector<16xi1>, vector<16xf32>
      %add3A_304 = arith.constant 13 : i32
      %add3A_305 = arith.addi %multiple_of3A, %add3A_304 : i32
      %get3A_306 = arith.index_cast %add3A_305 : i32 to index
      %get3A_307 = arith.constant 0 : index
      %get3A_308 = tpu.vector_load %arg5[%get3A_306, %get3A_307] {strides = array<i32>} : memref<384x85xf32, #tpu.memory_space<vmem>>, vector<1x16xf32>,
      %get3A_309 = vector.shape_cast %get3A_308 : vector<1x16xf32> to vector<16xf32>
      %lt3A_310 = arith.constant 0 : i32
      %lt3A_311 = vector.broadcast %lt3A_310 : i32 to vector<16xi32>
      %lt3A_312 = arith.cmpi slt, %broadcast_in_dim3A_5, %lt3A_311 : vector<16xi32>
      %add3A_313 = arith.constant 16 : i32
      %add3A_314 = vector.broadcast %add3A_313 : i32 to vector<16xi32>
      %add3A_315 = arith.addi %broadcast_in_dim3A_5, %add3A_314 : vector<16xi32>
      %select_n3A_316 = arith.select %lt3A_312, %add3A_315, %broadcast_in_dim3A_5 : vector<16xi1>, vector<16xi32>
      %broadcast_in_dim3A_317 = vector.shape_cast %select_n3A_316 : vector<16xi32> to vector<16x1xi32>
      %gather3A_318 = vector.shape_cast %broadcast_in_dim3A_317 : vector<16x1xi32> to vector<16xi32>
      %gather3A_319 = tpu.dynamic_gather %get3A_309[%gather3A_318] in [0] : vector<16xf32>, vector<16xi32> -> vector<16xf32>
      %eq3A_320 = arith.constant 13 : i32
      %eq3A_321 = vector.broadcast %eq3A_320 : i32 to vector<16xi32>
      %eq3A_322 = arith.cmpi eq, %iota3A, %eq3A_321 : vector<16xi32>
      %select_n3A_323 = arith.select %eq3A_322, %gather3A_319, %select_n3A_303 : vector<16xi1>, vector<16xf32>
      %add3A_324 = arith.constant 14 : i32
      %add3A_325 = arith.addi %multiple_of3A, %add3A_324 : i32
      %get3A_326 = arith.index_cast %add3A_325 : i32 to index
      %get3A_327 = arith.constant 0 : index
      %get3A_328 = tpu.vector_load %arg5[%get3A_326, %get3A_327] {strides = array<i32>} : memref<384x85xf32, #tpu.memory_space<vmem>>, vector<1x16xf32>,
      %get3A_329 = vector.shape_cast %get3A_328 : vector<1x16xf32> to vector<16xf32>
      %lt3A_330 = arith.constant 0 : i32
      %lt3A_331 = vector.broadcast %lt3A_330 : i32 to vector<16xi32>
      %lt3A_332 = arith.cmpi slt, %broadcast_in_dim3A_5, %lt3A_331 : vector<16xi32>
      %add3A_333 = arith.constant 16 : i32
      %add3A_334 = vector.broadcast %add3A_333 : i32 to vector<16xi32>
      %add3A_335 = arith.addi %broadcast_in_dim3A_5, %add3A_334 : vector<16xi32>
      %select_n3A_336 = arith.select %lt3A_332, %add3A_335, %broadcast_in_dim3A_5 : vector<16xi1>, vector<16xi32>
      %broadcast_in_dim3A_337 = vector.shape_cast %select_n3A_336 : vector<16xi32> to vector<16x1xi32>
      %gather3A_338 = vector.shape_cast %broadcast_in_dim3A_337 : vector<16x1xi32> to vector<16xi32>
      %gather3A_339 = tpu.dynamic_gather %get3A_329[%gather3A_338] in [0] : vector<16xf32>, vector<16xi32> -> vector<16xf32>
      %eq3A_340 = arith.constant 14 : i32
      %eq3A_341 = vector.broadcast %eq3A_340 : i32 to vector<16xi32>
      %eq3A_342 = arith.cmpi eq, %iota3A, %eq3A_341 : vector<16xi32>
      %select_n3A_343 = arith.select %eq3A_342, %gather3A_339, %select_n3A_323 : vector<16xi1>, vector<16xf32>
      %add3A_344 = arith.constant 15 : i32
      %add3A_345 = arith.addi %multiple_of3A, %add3A_344 : i32
      %get3A_346 = arith.index_cast %add3A_345 : i32 to index
      %get3A_347 = arith.constant 0 : index
      %get3A_348 = tpu.vector_load %arg5[%get3A_346, %get3A_347] {strides = array<i32>} : memref<384x85xf32, #tpu.memory_space<vmem>>, vector<1x16xf32>,
      %get3A_349 = vector.shape_cast %get3A_348 : vector<1x16xf32> to vector<16xf32>
      %lt3A_350 = arith.constant 0 : i32
      %lt3A_351 = vector.broadcast %lt3A_350 : i32 to vector<16xi32>
      %lt3A_352 = arith.cmpi slt, %broadcast_in_dim3A_5, %lt3A_351 : vector<16xi32>
      %add3A_353 = arith.constant 16 : i32
      %add3A_354 = vector.broadcast %add3A_353 : i32 to vector<16xi32>
      %add3A_355 = arith.addi %broadcast_in_dim3A_5, %add3A_354 : vector<16xi32>
      %select_n3A_356 = arith.select %lt3A_352, %add3A_355, %broadcast_in_dim3A_5 : vector<16xi1>, vector<16xi32>
      %broadcast_in_dim3A_357 = vector.shape_cast %select_n3A_356 : vector<16xi32> to vector<16x1xi32>
      %gather3A_358 = vector.shape_cast %broadcast_in_dim3A_357 : vector<16x1xi32> to vector<16xi32>
      %gather3A_359 = tpu.dynamic_gather %get3A_349[%gather3A_358] in [0] : vector<16xf32>, vector<16xi32> -> vector<16xf32>
      %eq3A_360 = arith.constant 15 : i32
      %eq3A_361 = vector.broadcast %eq3A_360 : i32 to vector<16xi32>
      %eq3A_362 = arith.cmpi eq, %iota3A, %eq3A_361 : vector<16xi32>
      %select_n3A_363 = arith.select %eq3A_362, %gather3A_359, %select_n3A_343 : vector<16xi1>, vector<16xf32>
      %add3A_364 = arith.constant 384 : i32
      %add3A_365 = arith.addi %add3A_364, %multiple_of3A : i32
      %swap3A = arith.index_cast %add3A_365 : i32 to index
      %swap3A_366 = tpu.vector_load %arg6[%swap3A] {strides = array<i32>} : memref<768xf32, #tpu.memory_space<vmem>>, vector<16xf32>,
      %swap3A_367 = vector.shape_cast %swap3A_366 : vector<16xf32> to vector<16xf32>
      %swap3A_368 = vector.shape_cast %select_n3A_363 : vector<16xf32> to vector<16xf32>
      tpu.vector_store %arg6[%swap3A], %swap3A_368 {strides = array<i32>} : memref<768xf32, #tpu.memory_space<vmem>>, vector<16xf32>,
      %scan3A_369 = arith.constant 0 : i32
      scf.yield %scan3A_369 : i32
    }
    %scan3A_40 = arith.constant 24 : i32
    %mul3A_41 = arith.constant 768 : i32
    %mul3A_42 = arith.muli %add3A, %mul3A_41 : i32
    "tpu.region"() ({
      %run_scoped3A = tpu.sem_alloc : memref<!tpu.dma_semaphore, #tpu.memory_space<semaphore_mem>>
      %dma_start3A_43 = tpu.memref_slice %arg3[%mul3A_42] : memref<24576xf32, #tpu.memory_space<hbm>> -> memref<768xf32, #tpu.memory_space<hbm>>
      %dma_start3A_44 = tpu.memref_slice %arg3[%mul3A_42] : memref<24576xf32, #tpu.memory_space<hbm>> -> memref<768xf32, #tpu.memory_space<hbm>>
      tpu.enqueue_dma source(%arg6 : memref<768xf32, #tpu.memory_space<vmem>>) target(%dma_start3A_44 : memref<768xf32, #tpu.memory_space<hbm>>) target_semaphore(%run_scoped3A : memref<!tpu.dma_semaphore, #tpu.memory_space<semaphore_mem>>)
      %dma_wait3A_45 = tpu.memref_slice %arg3[%mul3A_42] : memref<24576xf32, #tpu.memory_space<hbm>> -> memref<768xf32, #tpu.memory_space<hbm>>
      %dma_wait3A_46 = tpu.memref_slice %arg3[%mul3A_42] : memref<24576xf32, #tpu.memory_space<hbm>> -> memref<768xf32, #tpu.memory_space<hbm>>
      tpu.wait_dma2 semaphore(%run_scoped3A : memref<!tpu.dma_semaphore, #tpu.memory_space<semaphore_mem>>) src(%arg6 : memref<768xf32, #tpu.memory_space<vmem>>) dst(%dma_wait3A_46 : memref<768xf32, #tpu.memory_space<hbm>>)
      tpu.yield
    }) : () -> ()
    return
  }
}

module attributes {stable_mosaic.version = 14 : i64} {
  func.func @_tc_c_body(%arg0: memref<5x320xf32, #tpu.memory_space<vmem>>, %arg1: memref<3x2xf32, #tpu.memory_space<vmem>>, %arg2: memref<192x128xf32, #tpu.memory_space<vmem>>, %arg3: memref<1x1xf32, #tpu.memory_space<smem>>, %arg4: memref<1x1xf32, #tpu.memory_space<smem>>) attributes {dimension_semantics = [], scalar_prefetch = 0 : i64, scratch_operands = 0 : i64, tpu.core_type = #tpu.core_type<tc>} {
    %get3A = arith.constant 0 : index
    %get3A_0 = arith.constant 0 : index
    %get3A_1 = vector.load %arg2[%get3A, %get3A_0] : memref<192x128xf32, #tpu.memory_space<vmem>>, vector<192x128xf32>
    %get3A_2 = arith.constant 1 : index
    %get3A_3 = arith.constant 0 : index
    %get3A_4 = vector.load %arg0[%get3A_2, %get3A_3] : memref<5x320xf32, #tpu.memory_space<vmem>>, vector<1x320xf32>
    %get3A_5 = arith.constant 2 : index
    %get3A_6 = arith.constant 0 : index
    %get3A_7 = vector.load %arg0[%get3A_5, %get3A_6] : memref<5x320xf32, #tpu.memory_space<vmem>>, vector<1x320xf32>
    %get3A_8 = arith.constant 3 : index
    %get3A_9 = arith.constant 0 : index
    %get3A_10 = vector.load %arg0[%get3A_8, %get3A_9] : memref<5x320xf32, #tpu.memory_space<vmem>>, vector<1x320xf32>
    %mul3A = arith.constant 3.200000e+01 : f32
    %mul3A_11 = vector.broadcast %mul3A : f32 to vector<1x320xf32>
    %mul3A_12 = arith.mulf %get3A_10, %mul3A_11 : vector<1x320xf32>
    %get3A_13 = arith.constant 4 : index
    %get3A_14 = arith.constant 0 : index
    %get3A_15 = vector.load %arg0[%get3A_13, %get3A_14] : memref<5x320xf32, #tpu.memory_space<vmem>>, vector<1x320xf32>
    %mul3A_16 = arith.constant 3.200000e+01 : f32
    %mul3A_17 = vector.broadcast %mul3A_16 : f32 to vector<1x320xf32>
    %mul3A_18 = arith.mulf %get3A_15, %mul3A_17 : vector<1x320xf32>
    %mul3A_19 = arith.mulf %mul3A_12, %mul3A_18 : vector<1x320xf32>
    %broadcast_in_dim3A = arith.constant 0 : i32
    %broadcast_in_dim3A_20 = vector.broadcast %broadcast_in_dim3A : i32 to vector<1x320xi32>
    %get3A_21 = arith.constant 0 : index
    %get3A_22 = arith.constant 0 : index
    %get3A_23 = vector.load %arg1[%get3A_21, %get3A_22] : memref<3x2xf32, #tpu.memory_space<vmem>>, vector<1x1xf32>
    %get3A_24 = arith.constant 0 : index
    %get3A_25 = arith.constant 1 : index
    %get3A_26 = vector.load %arg1[%get3A_24, %get3A_25] : memref<3x2xf32, #tpu.memory_space<vmem>>, vector<1x1xf32>
    %min3A = vector.broadcast %get3A_23 : vector<1x1xf32> to vector<1x320xf32>
    %min3A_27 = arith.minimumf %min3A, %mul3A_12 : vector<1x320xf32>
    %min3A_28 = vector.broadcast %get3A_26 : vector<1x1xf32> to vector<1x320xf32>
    %min3A_29 = arith.minimumf %min3A_28, %mul3A_18 : vector<1x320xf32>
    %mul3A_30 = arith.mulf %min3A_27, %min3A_29 : vector<1x320xf32>
    %mul3A_31 = arith.mulf %get3A_23, %get3A_26 : vector<1x1xf32>
    %add3A = vector.broadcast %mul3A_31 : vector<1x1xf32> to vector<1x320xf32>
    %add3A_32 = arith.addf %add3A, %mul3A_19 : vector<1x320xf32>
    %sub3A = arith.subf %add3A_32, %mul3A_30 : vector<1x320xf32>
    %div3A = arith.divf %mul3A_30, %sub3A : vector<1x320xf32>
    %get3A_33 = arith.constant 1 : index
    %get3A_34 = arith.constant 0 : index
    %get3A_35 = vector.load %arg1[%get3A_33, %get3A_34] : memref<3x2xf32, #tpu.memory_space<vmem>>, vector<1x1xf32>
    %get3A_36 = arith.constant 1 : index
    %get3A_37 = arith.constant 1 : index
    %get3A_38 = vector.load %arg1[%get3A_36, %get3A_37] : memref<3x2xf32, #tpu.memory_space<vmem>>, vector<1x1xf32>
    %min3A_39 = vector.broadcast %get3A_35 : vector<1x1xf32> to vector<1x320xf32>
    %min3A_40 = arith.minimumf %min3A_39, %mul3A_12 : vector<1x320xf32>
    %min3A_41 = vector.broadcast %get3A_38 : vector<1x1xf32> to vector<1x320xf32>
    %min3A_42 = arith.minimumf %min3A_41, %mul3A_18 : vector<1x320xf32>
    %mul3A_43 = arith.mulf %min3A_40, %min3A_42 : vector<1x320xf32>
    %mul3A_44 = arith.mulf %get3A_35, %get3A_38 : vector<1x1xf32>
    %add3A_45 = vector.broadcast %mul3A_44 : vector<1x1xf32> to vector<1x320xf32>
    %add3A_46 = arith.addf %add3A_45, %mul3A_19 : vector<1x320xf32>
    %sub3A_47 = arith.subf %add3A_46, %mul3A_43 : vector<1x320xf32>
    %div3A_48 = arith.divf %mul3A_43, %sub3A_47 : vector<1x320xf32>
    %gt3A = arith.cmpf ogt, %div3A_48, %div3A : vector<1x320xf32>
    %jit3A = arith.constant 1 : i32
    %broadcast_in_dim3A_49 = vector.broadcast %jit3A : i32 to vector<1x320xi32>
    %select_n3A = arith.select %gt3A, %broadcast_in_dim3A_49, %broadcast_in_dim3A_20 : vector<1x320xi1>, vector<1x320xi32>
    %select_n3A_50 = arith.select %gt3A, %div3A_48, %div3A : vector<1x320xi1>, vector<1x320xf32>
    %get3A_51 = arith.constant 2 : index
    %get3A_52 = arith.constant 0 : index
    %get3A_53 = vector.load %arg1[%get3A_51, %get3A_52] : memref<3x2xf32, #tpu.memory_space<vmem>>, vector<1x1xf32>
    %get3A_54 = arith.constant 2 : index
    %get3A_55 = arith.constant 1 : index
    %get3A_56 = vector.load %arg1[%get3A_54, %get3A_55] : memref<3x2xf32, #tpu.memory_space<vmem>>, vector<1x1xf32>
    %min3A_57 = vector.broadcast %get3A_53 : vector<1x1xf32> to vector<1x320xf32>
    %min3A_58 = arith.minimumf %min3A_57, %mul3A_12 : vector<1x320xf32>
    %min3A_59 = vector.broadcast %get3A_56 : vector<1x1xf32> to vector<1x320xf32>
    %min3A_60 = arith.minimumf %min3A_59, %mul3A_18 : vector<1x320xf32>
    %mul3A_61 = arith.mulf %min3A_58, %min3A_60 : vector<1x320xf32>
    %mul3A_62 = arith.mulf %get3A_53, %get3A_56 : vector<1x1xf32>
    %add3A_63 = vector.broadcast %mul3A_62 : vector<1x1xf32> to vector<1x320xf32>
    %add3A_64 = arith.addf %add3A_63, %mul3A_19 : vector<1x320xf32>
    %sub3A_65 = arith.subf %add3A_64, %mul3A_61 : vector<1x320xf32>
    %div3A_66 = arith.divf %mul3A_61, %sub3A_65 : vector<1x320xf32>
    %gt3A_67 = arith.cmpf ogt, %div3A_66, %select_n3A_50 : vector<1x320xf32>
    %jit3A_68 = arith.constant 2 : i32
    %broadcast_in_dim3A_69 = vector.broadcast %jit3A_68 : i32 to vector<1x320xi32>
    %select_n3A_70 = arith.select %gt3A_67, %broadcast_in_dim3A_69, %select_n3A : vector<1x320xi1>, vector<1x320xi32>
    %select_n3A_71 = arith.select %gt3A_67, %div3A_66, %select_n3A_50 : vector<1x320xi1>, vector<1x320xf32>
    %mul3A_72 = arith.constant 3.200000e+01 : f32
    %mul3A_73 = vector.broadcast %mul3A_72 : f32 to vector<1x320xf32>
    %mul3A_74 = arith.mulf %get3A_4, %mul3A_73 : vector<1x320xf32>
    %convert_element_type3A = arith.fptosi %mul3A_74 : vector<1x320xf32> to vector<1x320xi32>
    %mul3A_75 = arith.constant 3.200000e+01 : f32
    %mul3A_76 = vector.broadcast %mul3A_75 : f32 to vector<1x320xf32>
    %mul3A_77 = arith.mulf %get3A_7, %mul3A_76 : vector<1x320xf32>
    %convert_element_type3A_78 = arith.fptosi %mul3A_77 : vector<1x320xf32> to vector<1x320xi32>
    %iota3A = tpu.iota {dimensions = array<i32: 1>} : vector<1x320xi32>
    %jit3A_79 = arith.constant 20 : i32
    %div3A_80 = vector.broadcast %jit3A_79 : i32 to vector<1x320xi32>
    %div3A_81 = arith.divsi %iota3A, %div3A_80 : vector<1x320xi32>
    %sign3A = arith.constant 0 : i32
    %sign3A_82 = vector.broadcast %sign3A : i32 to vector<1x320xi32>
    %sign3A_83 = arith.cmpi sgt, %iota3A, %sign3A_82 : vector<1x320xi32>
    %sign3A_84 = arith.extui %sign3A_83 : vector<1x320xi1> to vector<1x320xi32>
    %sign3A_85 = arith.constant 0 : i32
    %sign3A_86 = vector.broadcast %sign3A_85 : i32 to vector<1x320xi32>
    %sign3A_87 = arith.cmpi slt, %iota3A, %sign3A_86 : vector<1x320xi32>
    %sign3A_88 = arith.extui %sign3A_87 : vector<1x320xi1> to vector<1x320xi32>
    %sign3A_89 = arith.subi %sign3A_84, %sign3A_88 : vector<1x320xi32>
    %sign3A_90 = arith.constant 0 : i32
    %sign3A_91 = arith.cmpi sgt, %jit3A_79, %sign3A_90 : i32
    %sign3A_92 = arith.extui %sign3A_91 : i1 to i32
    %sign3A_93 = arith.constant 0 : i32
    %sign3A_94 = arith.cmpi slt, %jit3A_79, %sign3A_93 : i32
    %sign3A_95 = arith.extui %sign3A_94 : i1 to i32
    %sign3A_96 = arith.subi %sign3A_92, %sign3A_95 : i32
    %ne3A = vector.broadcast %sign3A_96 : i32 to vector<1x320xi32>
    %ne3A_97 = arith.cmpi ne, %sign3A_89, %ne3A : vector<1x320xi32>
    %rem3A = vector.broadcast %jit3A_79 : i32 to vector<1x320xi32>
    %rem3A_98 = arith.remsi %iota3A, %rem3A : vector<1x320xi32>
    %ne3A_99 = arith.constant 0 : i32
    %ne3A_100 = vector.broadcast %ne3A_99 : i32 to vector<1x320xi32>
    %ne3A_101 = arith.cmpi ne, %rem3A_98, %ne3A_100 : vector<1x320xi32>
    %and3A = arith.andi %ne3A_97, %ne3A_101 : vector<1x320xi1>
    %sub3A_102 = arith.constant 1 : i32
    %sub3A_103 = vector.broadcast %sub3A_102 : i32 to vector<1x320xi32>
    %sub3A_104 = arith.subi %div3A_81, %sub3A_103 : vector<1x320xi32>
    %select_n3A_105 = arith.select %and3A, %sub3A_104, %div3A_81 : vector<1x320xi1>, vector<1x320xi32>
    %gt3A_106 = arith.constant 5.000000e-01 : f32
    %gt3A_107 = vector.broadcast %gt3A_106 : f32 to vector<1x320xf32>
    %gt3A_108 = arith.cmpf ogt, %select_n3A_71, %gt3A_107 : vector<1x320xf32>
    %convert_element_type3A_109 = arith.extui %gt3A_108 : vector<1x320xi1> to vector<1x320xi32>
    %convert_element_type3A_110 = arith.sitofp %convert_element_type3A_109 : vector<1x320xi32> to vector<1x320xf32>
    %mul3A_111 = arith.constant 3 : i32
    %mul3A_112 = vector.broadcast %mul3A_111 : i32 to vector<1x320xi32>
    %mul3A_113 = arith.muli %select_n3A_105, %mul3A_112 : vector<1x320xi32>
    %add3A_114 = arith.addi %mul3A_113, %select_n3A_70 : vector<1x320xi32>
    %mul3A_115 = arith.constant 32 : i32
    %mul3A_116 = vector.broadcast %mul3A_115 : i32 to vector<1x320xi32>
    %mul3A_117 = arith.muli %add3A_114, %mul3A_116 : vector<1x320xi32>
    %add3A_118 = arith.addi %mul3A_117, %convert_element_type3A_78 : vector<1x320xi32>
    %mul3A_119 = arith.constant 32 : i32
    %mul3A_120 = vector.broadcast %mul3A_119 : i32 to vector<1x320xi32>
    %mul3A_121 = arith.muli %add3A_118, %mul3A_120 : vector<1x320xi32>
    %add3A_122 = arith.addi %mul3A_121, %convert_element_type3A : vector<1x320xi32>
    %sub3A_123 = arith.constant 24576 : i32
    %sub3A_124 = vector.broadcast %sub3A_123 : i32 to vector<1x320xi32>
    %sub3A_125 = arith.subi %add3A_122, %sub3A_124 : vector<1x320xi32>
    %div3A_126 = arith.constant 128 : i32
    %div3A_127 = vector.broadcast %div3A_126 : i32 to vector<1x320xi32>
    %div3A_128 = arith.divsi %sub3A_125, %div3A_127 : vector<1x320xi32>
    %rem3A_129 = arith.constant 128 : i32
    %rem3A_130 = vector.broadcast %rem3A_129 : i32 to vector<1x320xi32>
    %rem3A_131 = arith.remsi %sub3A_125, %rem3A_130 : vector<1x320xi32>
    %iota3A_132 = tpu.iota {dimensions = array<i32: 0>} : vector<192x320xi32>
    %iota3A_133 = tpu.iota {dimensions = array<i32: 0>} : vector<128x320xi32>
    %eq3A = vector.broadcast %div3A_128 : vector<1x320xi32> to vector<192x320xi32>
    %eq3A_134 = arith.cmpi eq, %iota3A_132, %eq3A : vector<192x320xi32>
    %convert_element_type3A_135 = arith.extui %eq3A_134 : vector<192x320xi1> to vector<192x320xi32>
    %convert_element_type3A_136 = arith.sitofp %convert_element_type3A_135 : vector<192x320xi32> to vector<192x320xf32>
    %mul3A_137 = vector.broadcast %convert_element_type3A_110 : vector<1x320xf32> to vector<192x320xf32>
    %mul3A_138 = arith.mulf %convert_element_type3A_136, %mul3A_137 : vector<192x320xf32>
    %eq3A_139 = vector.broadcast %rem3A_131 : vector<1x320xi32> to vector<128x320xi32>
    %eq3A_140 = arith.cmpi eq, %iota3A_133, %eq3A_139 : vector<128x320xi32>
    %convert_element_type3A_141 = arith.extui %eq3A_140 : vector<128x320xi1> to vector<128x320xi32>
    %convert_element_type3A_142 = arith.sitofp %convert_element_type3A_141 : vector<128x320xi32> to vector<128x320xf32>
    %dot_general3A = arith.constant dense<0.000000e+00> : vector<192x128xf32>
    %dot_general3A_143 = tpu.matmul %mul3A_138, %convert_element_type3A_142, %dot_general3A {dimension_numbers = #tpu.dot_dimension_numbers<[1], [1], [0], [0], [0, 0, 1, 0], [], []>, transpose_lhs_hint = false} : vector<192x320xf32>, vector<128x320xf32>, vector<192x128xf32> -> vector<192x128xf32>
    %gt3A_144 = arith.constant 0.000000e+00 : f32
    %gt3A_145 = vector.broadcast %gt3A_144 : f32 to vector<192x128xf32>
    %gt3A_146 = arith.cmpf ogt, %dot_general3A_143, %gt3A_145 : vector<192x128xf32>
    %log3A = math.log %get3A_1 : vector<192x128xf32>
    %max3A = arith.constant -1.000000e+02 : f32
    %max3A_147 = vector.broadcast %max3A : f32 to vector<192x128xf32>
    %max3A_148 = arith.maximumf %log3A, %max3A_147 : vector<192x128xf32>
    %sub3A_149 = arith.constant 1.000000e+00 : f32
    %sub3A_150 = vector.broadcast %sub3A_149 : f32 to vector<192x128xf32>
    %sub3A_151 = arith.subf %sub3A_150, %get3A_1 : vector<192x128xf32>
    %log3A_152 = math.log %sub3A_151 : vector<192x128xf32>
    %max3A_153 = arith.constant -1.000000e+02 : f32
    %max3A_154 = vector.broadcast %max3A_153 : f32 to vector<192x128xf32>
    %max3A_155 = arith.maximumf %log3A_152, %max3A_154 : vector<192x128xf32>
    %neg3A = arith.constant 0.000000e+00 : f32
    %neg3A_156 = vector.broadcast %neg3A : f32 to vector<192x128xf32>
    %neg3A_157 = arith.subf %neg3A_156, %max3A_148 : vector<192x128xf32>
    %neg3A_158 = arith.constant 0.000000e+00 : f32
    %neg3A_159 = vector.broadcast %neg3A_158 : f32 to vector<192x128xf32>
    %neg3A_160 = arith.subf %neg3A_159, %max3A_155 : vector<192x128xf32>
    %select_n3A_161 = arith.select %gt3A_146, %neg3A_157, %neg3A_160 : vector<192x128xi1>, vector<192x128xf32>
    %reduce_sum3A = vector.shape_cast %select_n3A_161 : vector<192x128xf32> to vector<1x192x128xf32>
    %reduce_sum3A_162 = arith.constant dense<0.000000e+00> : vector<1xf32>
    %reduce_sum3A_163 = vector.multi_reduction <add>, %reduce_sum3A, %reduce_sum3A_162 [1, 2] : vector<1x192x128xf32> to vector<1xf32>
    %reduce_sum3A_164 = vector.shape_cast %reduce_sum3A_163 : vector<1xf32> to vector<1x1x1xf32>
    %reduce_sum3A_165 = vector.extract %reduce_sum3A_164[0, 0, 0] : f32 from vector<1x1x1xf32>
    %get3A_166 = arith.constant 0 : index
    %get3A_167 = arith.constant 0 : index
    %get3A_168 = memref.load %arg3[%get3A_166, %get3A_167] : memref<1x1xf32, #tpu.memory_space<smem>>
    %add3A_169 = arith.addf %reduce_sum3A_165, %get3A_168 : f32
    %div3A_170 = arith.constant 4.915200e+04 : f32
    %div3A_171 = arith.divf %add3A_169, %div3A_170 : f32
    %swap3A = arith.constant 0 : index
    %swap3A_172 = arith.constant 0 : index
    %swap3A_173 = memref.load %arg4[%swap3A, %swap3A_172] : memref<1x1xf32, #tpu.memory_space<smem>>
    memref.store %div3A_171, %arg4[%swap3A, %swap3A_172] : memref<1x1xf32, #tpu.memory_space<smem>>
    return
  }
}

module attributes {stable_mosaic.version = 14 : i64} {
  func.func @_tc_a_body(%arg0: i32, %arg1: memref<5x320xf32, #tpu.memory_space<vmem>>, %arg2: memref<3x2xf32, #tpu.memory_space<vmem>>, %arg3: memref<8x32x32x85xf32, #tpu.memory_space<vmem>>, %arg4: memref<1x1xf32, #tpu.memory_space<smem>>) attributes {dimension_semantics = [#tpu.dimension_semantics<arbitrary>], iteration_bounds = array<i64: 3>, scalar_prefetch = 0 : i64, scratch_operands = 0 : i64, tpu.core_type = #tpu.core_type<tc>, window_params = [{pipeline_mode = #tpu.pipeline_mode<synchronous>, transform_indices = @transform_0, window_bounds = array<i64: 5, 320>}, {pipeline_mode = #tpu.pipeline_mode<synchronous>, transform_indices = @transform_1, window_bounds = array<i64: 3, 2>}, {transform_indices = @transform_2, window_bounds = array<i64: 8, 32, 32, 85>}, {transform_indices = @transform_3, window_bounds = array<i64: 1, 1>}]} {
    %get3A = arith.constant 0 : index
    %get3A_0 = arith.constant 0 : index
    %get3A_1 = arith.constant 0 : index
    %get3A_2 = arith.constant 4 : index
    %get3A_3 = vector.load %arg3[%get3A, %get3A_0, %get3A_1, %get3A_2] : memref<8x32x32x85xf32, #tpu.memory_space<vmem>>, vector<8x32x32x1xf32>
    %get3A_4 = vector.shape_cast %get3A_3 : vector<8x32x32x1xf32> to vector<8x32x32xf32>
    %reshape3A = vector.shape_cast %get3A_4 : vector<8x32x32xf32> to vector<256x32xf32>
    %get3A_5 = arith.constant 1 : index
    %get3A_6 = arith.constant 0 : index
    %get3A_7 = vector.load %arg1[%get3A_5, %get3A_6] : memref<5x320xf32, #tpu.memory_space<vmem>>, vector<1x320xf32>
    %get3A_8 = arith.constant 2 : index
    %get3A_9 = arith.constant 0 : index
    %get3A_10 = vector.load %arg1[%get3A_8, %get3A_9] : memref<5x320xf32, #tpu.memory_space<vmem>>, vector<1x320xf32>
    %get3A_11 = arith.constant 3 : index
    %get3A_12 = arith.constant 0 : index
    %get3A_13 = vector.load %arg1[%get3A_11, %get3A_12] : memref<5x320xf32, #tpu.memory_space<vmem>>, vector<1x320xf32>
    %mul3A = arith.constant 3.200000e+01 : f32
    %mul3A_14 = vector.broadcast %mul3A : f32 to vector<1x320xf32>
    %mul3A_15 = arith.mulf %get3A_13, %mul3A_14 : vector<1x320xf32>
    %get3A_16 = arith.constant 4 : index
    %get3A_17 = arith.constant 0 : index
    %get3A_18 = vector.load %arg1[%get3A_16, %get3A_17] : memref<5x320xf32, #tpu.memory_space<vmem>>, vector<1x320xf32>
    %mul3A_19 = arith.constant 3.200000e+01 : f32
    %mul3A_20 = vector.broadcast %mul3A_19 : f32 to vector<1x320xf32>
    %mul3A_21 = arith.mulf %get3A_18, %mul3A_20 : vector<1x320xf32>
    %mul3A_22 = arith.mulf %mul3A_15, %mul3A_21 : vector<1x320xf32>
    %broadcast_in_dim3A = arith.constant 0 : i32
    %broadcast_in_dim3A_23 = vector.broadcast %broadcast_in_dim3A : i32 to vector<1x320xi32>
    %get3A_24 = arith.constant 0 : index
    %get3A_25 = arith.constant 0 : index
    %get3A_26 = vector.load %arg2[%get3A_24, %get3A_25] : memref<3x2xf32, #tpu.memory_space<vmem>>, vector<1x1xf32>
    %get3A_27 = arith.constant 0 : index
    %get3A_28 = arith.constant 1 : index
    %get3A_29 = vector.load %arg2[%get3A_27, %get3A_28] : memref<3x2xf32, #tpu.memory_space<vmem>>, vector<1x1xf32>
    %min3A = vector.broadcast %get3A_26 : vector<1x1xf32> to vector<1x320xf32>
    %min3A_30 = arith.minimumf %min3A, %mul3A_15 : vector<1x320xf32>
    %min3A_31 = vector.broadcast %get3A_29 : vector<1x1xf32> to vector<1x320xf32>
    %min3A_32 = arith.minimumf %min3A_31, %mul3A_21 : vector<1x320xf32>
    %mul3A_33 = arith.mulf %min3A_30, %min3A_32 : vector<1x320xf32>
    %mul3A_34 = arith.mulf %get3A_26, %get3A_29 : vector<1x1xf32>
    %add3A = vector.broadcast %mul3A_34 : vector<1x1xf32> to vector<1x320xf32>
    %add3A_35 = arith.addf %add3A, %mul3A_22 : vector<1x320xf32>
    %sub3A = arith.subf %add3A_35, %mul3A_33 : vector<1x320xf32>
    %div3A = arith.divf %mul3A_33, %sub3A : vector<1x320xf32>
    %get3A_36 = arith.constant 1 : index
    %get3A_37 = arith.constant 0 : index
    %get3A_38 = vector.load %arg2[%get3A_36, %get3A_37] : memref<3x2xf32, #tpu.memory_space<vmem>>, vector<1x1xf32>
    %get3A_39 = arith.constant 1 : index
    %get3A_40 = arith.constant 1 : index
    %get3A_41 = vector.load %arg2[%get3A_39, %get3A_40] : memref<3x2xf32, #tpu.memory_space<vmem>>, vector<1x1xf32>
    %min3A_42 = vector.broadcast %get3A_38 : vector<1x1xf32> to vector<1x320xf32>
    %min3A_43 = arith.minimumf %min3A_42, %mul3A_15 : vector<1x320xf32>
    %min3A_44 = vector.broadcast %get3A_41 : vector<1x1xf32> to vector<1x320xf32>
    %min3A_45 = arith.minimumf %min3A_44, %mul3A_21 : vector<1x320xf32>
    %mul3A_46 = arith.mulf %min3A_43, %min3A_45 : vector<1x320xf32>
    %mul3A_47 = arith.mulf %get3A_38, %get3A_41 : vector<1x1xf32>
    %add3A_48 = vector.broadcast %mul3A_47 : vector<1x1xf32> to vector<1x320xf32>
    %add3A_49 = arith.addf %add3A_48, %mul3A_22 : vector<1x320xf32>
    %sub3A_50 = arith.subf %add3A_49, %mul3A_46 : vector<1x320xf32>
    %div3A_51 = arith.divf %mul3A_46, %sub3A_50 : vector<1x320xf32>
    %gt3A = arith.cmpf ogt, %div3A_51, %div3A : vector<1x320xf32>
    %jit3A = arith.constant 1 : i32
    %broadcast_in_dim3A_52 = vector.broadcast %jit3A : i32 to vector<1x320xi32>
    %select_n3A = arith.select %gt3A, %broadcast_in_dim3A_52, %broadcast_in_dim3A_23 : vector<1x320xi1>, vector<1x320xi32>
    %select_n3A_53 = arith.select %gt3A, %div3A_51, %div3A : vector<1x320xi1>, vector<1x320xf32>
    %get3A_54 = arith.constant 2 : index
    %get3A_55 = arith.constant 0 : index
    %get3A_56 = vector.load %arg2[%get3A_54, %get3A_55] : memref<3x2xf32, #tpu.memory_space<vmem>>, vector<1x1xf32>
    %get3A_57 = arith.constant 2 : index
    %get3A_58 = arith.constant 1 : index
    %get3A_59 = vector.load %arg2[%get3A_57, %get3A_58] : memref<3x2xf32, #tpu.memory_space<vmem>>, vector<1x1xf32>
    %min3A_60 = vector.broadcast %get3A_56 : vector<1x1xf32> to vector<1x320xf32>
    %min3A_61 = arith.minimumf %min3A_60, %mul3A_15 : vector<1x320xf32>
    %min3A_62 = vector.broadcast %get3A_59 : vector<1x1xf32> to vector<1x320xf32>
    %min3A_63 = arith.minimumf %min3A_62, %mul3A_21 : vector<1x320xf32>
    %mul3A_64 = arith.mulf %min3A_61, %min3A_63 : vector<1x320xf32>
    %mul3A_65 = arith.mulf %get3A_56, %get3A_59 : vector<1x1xf32>
    %add3A_66 = vector.broadcast %mul3A_65 : vector<1x1xf32> to vector<1x320xf32>
    %add3A_67 = arith.addf %add3A_66, %mul3A_22 : vector<1x320xf32>
    %sub3A_68 = arith.subf %add3A_67, %mul3A_64 : vector<1x320xf32>
    %div3A_69 = arith.divf %mul3A_64, %sub3A_68 : vector<1x320xf32>
    %gt3A_70 = arith.cmpf ogt, %div3A_69, %select_n3A_53 : vector<1x320xf32>
    %jit3A_71 = arith.constant 2 : i32
    %broadcast_in_dim3A_72 = vector.broadcast %jit3A_71 : i32 to vector<1x320xi32>
    %select_n3A_73 = arith.select %gt3A_70, %broadcast_in_dim3A_72, %select_n3A : vector<1x320xi1>, vector<1x320xi32>
    %select_n3A_74 = arith.select %gt3A_70, %div3A_69, %select_n3A_53 : vector<1x320xi1>, vector<1x320xf32>
    %mul3A_75 = arith.constant 3.200000e+01 : f32
    %mul3A_76 = vector.broadcast %mul3A_75 : f32 to vector<1x320xf32>
    %mul3A_77 = arith.mulf %get3A_7, %mul3A_76 : vector<1x320xf32>
    %convert_element_type3A = arith.fptosi %mul3A_77 : vector<1x320xf32> to vector<1x320xi32>
    %mul3A_78 = arith.constant 3.200000e+01 : f32
    %mul3A_79 = vector.broadcast %mul3A_78 : f32 to vector<1x320xf32>
    %mul3A_80 = arith.mulf %get3A_10, %mul3A_79 : vector<1x320xf32>
    %convert_element_type3A_81 = arith.fptosi %mul3A_80 : vector<1x320xf32> to vector<1x320xi32>
    %iota3A = tpu.iota {dimensions = array<i32: 1>} : vector<1x320xi32>
    %jit3A_82 = arith.constant 20 : i32
    %div3A_83 = vector.broadcast %jit3A_82 : i32 to vector<1x320xi32>
    %div3A_84 = arith.divsi %iota3A, %div3A_83 : vector<1x320xi32>
    %sign3A = arith.constant 0 : i32
    %sign3A_85 = vector.broadcast %sign3A : i32 to vector<1x320xi32>
    %sign3A_86 = arith.cmpi sgt, %iota3A, %sign3A_85 : vector<1x320xi32>
    %sign3A_87 = arith.extui %sign3A_86 : vector<1x320xi1> to vector<1x320xi32>
    %sign3A_88 = arith.constant 0 : i32
    %sign3A_89 = vector.broadcast %sign3A_88 : i32 to vector<1x320xi32>
    %sign3A_90 = arith.cmpi slt, %iota3A, %sign3A_89 : vector<1x320xi32>
    %sign3A_91 = arith.extui %sign3A_90 : vector<1x320xi1> to vector<1x320xi32>
    %sign3A_92 = arith.subi %sign3A_87, %sign3A_91 : vector<1x320xi32>
    %sign3A_93 = arith.constant 0 : i32
    %sign3A_94 = arith.cmpi sgt, %jit3A_82, %sign3A_93 : i32
    %sign3A_95 = arith.extui %sign3A_94 : i1 to i32
    %sign3A_96 = arith.constant 0 : i32
    %sign3A_97 = arith.cmpi slt, %jit3A_82, %sign3A_96 : i32
    %sign3A_98 = arith.extui %sign3A_97 : i1 to i32
    %sign3A_99 = arith.subi %sign3A_95, %sign3A_98 : i32
    %ne3A = vector.broadcast %sign3A_99 : i32 to vector<1x320xi32>
    %ne3A_100 = arith.cmpi ne, %sign3A_92, %ne3A : vector<1x320xi32>
    %rem3A = vector.broadcast %jit3A_82 : i32 to vector<1x320xi32>
    %rem3A_101 = arith.remsi %iota3A, %rem3A : vector<1x320xi32>
    %ne3A_102 = arith.constant 0 : i32
    %ne3A_103 = vector.broadcast %ne3A_102 : i32 to vector<1x320xi32>
    %ne3A_104 = arith.cmpi ne, %rem3A_101, %ne3A_103 : vector<1x320xi32>
    %and3A = arith.andi %ne3A_100, %ne3A_104 : vector<1x320xi1>
    %sub3A_105 = arith.constant 1 : i32
    %sub3A_106 = vector.broadcast %sub3A_105 : i32 to vector<1x320xi32>
    %sub3A_107 = arith.subi %div3A_84, %sub3A_106 : vector<1x320xi32>
    %select_n3A_108 = arith.select %and3A, %sub3A_107, %div3A_84 : vector<1x320xi1>, vector<1x320xi32>
    %gt3A_109 = arith.constant 5.000000e-01 : f32
    %gt3A_110 = vector.broadcast %gt3A_109 : f32 to vector<1x320xf32>
    %gt3A_111 = arith.cmpf ogt, %select_n3A_74, %gt3A_110 : vector<1x320xf32>
    %convert_element_type3A_112 = arith.extui %gt3A_111 : vector<1x320xi1> to vector<1x320xi32>
    %convert_element_type3A_113 = arith.sitofp %convert_element_type3A_112 : vector<1x320xi32> to vector<1x320xf32>
    %mul3A_114 = arith.constant 3 : i32
    %mul3A_115 = vector.broadcast %mul3A_114 : i32 to vector<1x320xi32>
    %mul3A_116 = arith.muli %select_n3A_108, %mul3A_115 : vector<1x320xi32>
    %add3A_117 = arith.addi %mul3A_116, %select_n3A_73 : vector<1x320xi32>
    %mul3A_118 = arith.constant 32 : i32
    %mul3A_119 = vector.broadcast %mul3A_118 : i32 to vector<1x320xi32>
    %mul3A_120 = arith.muli %add3A_117, %mul3A_119 : vector<1x320xi32>
    %add3A_121 = arith.addi %mul3A_120, %convert_element_type3A_81 : vector<1x320xi32>
    %mul3A_122 = arith.constant 32 : i32
    %mul3A_123 = vector.broadcast %mul3A_122 : i32 to vector<1x320xi32>
    %mul3A_124 = arith.muli %add3A_121, %mul3A_123 : vector<1x320xi32>
    %add3A_125 = arith.addi %mul3A_124, %convert_element_type3A : vector<1x320xi32>
    %div3A_126 = arith.constant 1024 : i32
    %div3A_127 = vector.broadcast %div3A_126 : i32 to vector<1x320xi32>
    %div3A_128 = arith.divsi %add3A_125, %div3A_127 : vector<1x320xi32>
    %rem3A_129 = arith.constant 1024 : i32
    %rem3A_130 = vector.broadcast %rem3A_129 : i32 to vector<1x320xi32>
    %rem3A_131 = arith.remsi %add3A_125, %rem3A_130 : vector<1x320xi32>
    %div3A_132 = arith.constant 32 : i32
    %div3A_133 = vector.broadcast %div3A_132 : i32 to vector<1x320xi32>
    %div3A_134 = arith.divsi %rem3A_131, %div3A_133 : vector<1x320xi32>
    %rem3A_135 = arith.constant 32 : i32
    %rem3A_136 = vector.broadcast %rem3A_135 : i32 to vector<1x320xi32>
    %rem3A_137 = arith.remsi %rem3A_131, %rem3A_136 : vector<1x320xi32>
    %iota3A_138 = tpu.iota {dimensions = array<i32: 0>} : vector<32x320xi32>
    %iota3A_139 = tpu.iota {dimensions = array<i32: 0>} : vector<32x320xi32>
    %eq3A = vector.broadcast %div3A_134 : vector<1x320xi32> to vector<32x320xi32>
    %eq3A_140 = arith.cmpi eq, %iota3A_138, %eq3A : vector<32x320xi32>
    %eq3A_141 = vector.broadcast %rem3A_137 : vector<1x320xi32> to vector<32x320xi32>
    %eq3A_142 = arith.cmpi eq, %iota3A_139, %eq3A_141 : vector<32x320xi32>
    %convert_element_type3A_143 = arith.extui %eq3A_142 : vector<32x320xi1> to vector<32x320xi32>
    %convert_element_type3A_144 = arith.sitofp %convert_element_type3A_143 : vector<32x320xi32> to vector<32x320xf32>
    %mul3A_145 = arith.constant 8 : i32
    %mul3A_146 = arith.muli %arg0, %mul3A_145 : i32
    %add3A_147 = arith.constant 0 : i32
    %add3A_148 = arith.addi %mul3A_146, %add3A_147 : i32
    %eq3A_149 = vector.broadcast %add3A_148 : i32 to vector<1x320xi32>
    %eq3A_150 = arith.cmpi eq, %div3A_128, %eq3A_149 : vector<1x320xi32>
    %convert_element_type3A_151 = arith.extui %eq3A_150 : vector<1x320xi1> to vector<1x320xi32>
    %convert_element_type3A_152 = arith.sitofp %convert_element_type3A_151 : vector<1x320xi32> to vector<1x320xf32>
    %mul3A_153 = arith.mulf %convert_element_type3A_113, %convert_element_type3A_152 : vector<1x320xf32>
    %convert_element_type3A_154 = arith.extui %eq3A_140 : vector<32x320xi1> to vector<32x320xi32>
    %convert_element_type3A_155 = arith.sitofp %convert_element_type3A_154 : vector<32x320xi32> to vector<32x320xf32>
    %mul3A_156 = vector.broadcast %mul3A_153 : vector<1x320xf32> to vector<32x320xf32>
    %mul3A_157 = arith.mulf %convert_element_type3A_155, %mul3A_156 : vector<32x320xf32>
    %mul3A_158 = arith.constant 8 : i32
    %mul3A_159 = arith.muli %arg0, %mul3A_158 : i32
    %add3A_160 = arith.constant 1 : i32
    %add3A_161 = arith.addi %mul3A_159, %add3A_160 : i32
    %eq3A_162 = vector.broadcast %add3A_161 : i32 to vector<1x320xi32>
    %eq3A_163 = arith.cmpi eq, %div3A_128, %eq3A_162 : vector<1x320xi32>
    %convert_element_type3A_164 = arith.extui %eq3A_163 : vector<1x320xi1> to vector<1x320xi32>
    %convert_element_type3A_165 = arith.sitofp %convert_element_type3A_164 : vector<1x320xi32> to vector<1x320xf32>
    %mul3A_166 = arith.mulf %convert_element_type3A_113, %convert_element_type3A_165 : vector<1x320xf32>
    %convert_element_type3A_167 = arith.extui %eq3A_140 : vector<32x320xi1> to vector<32x320xi32>
    %convert_element_type3A_168 = arith.sitofp %convert_element_type3A_167 : vector<32x320xi32> to vector<32x320xf32>
    %mul3A_169 = vector.broadcast %mul3A_166 : vector<1x320xf32> to vector<32x320xf32>
    %mul3A_170 = arith.mulf %convert_element_type3A_168, %mul3A_169 : vector<32x320xf32>
    %mul3A_171 = arith.constant 8 : i32
    %mul3A_172 = arith.muli %arg0, %mul3A_171 : i32
    %add3A_173 = arith.constant 2 : i32
    %add3A_174 = arith.addi %mul3A_172, %add3A_173 : i32
    %eq3A_175 = vector.broadcast %add3A_174 : i32 to vector<1x320xi32>
    %eq3A_176 = arith.cmpi eq, %div3A_128, %eq3A_175 : vector<1x320xi32>
    %convert_element_type3A_177 = arith.extui %eq3A_176 : vector<1x320xi1> to vector<1x320xi32>
    %convert_element_type3A_178 = arith.sitofp %convert_element_type3A_177 : vector<1x320xi32> to vector<1x320xf32>
    %mul3A_179 = arith.mulf %convert_element_type3A_113, %convert_element_type3A_178 : vector<1x320xf32>
    %convert_element_type3A_180 = arith.extui %eq3A_140 : vector<32x320xi1> to vector<32x320xi32>
    %convert_element_type3A_181 = arith.sitofp %convert_element_type3A_180 : vector<32x320xi32> to vector<32x320xf32>
    %mul3A_182 = vector.broadcast %mul3A_179 : vector<1x320xf32> to vector<32x320xf32>
    %mul3A_183 = arith.mulf %convert_element_type3A_181, %mul3A_182 : vector<32x320xf32>
    %mul3A_184 = arith.constant 8 : i32
    %mul3A_185 = arith.muli %arg0, %mul3A_184 : i32
    %add3A_186 = arith.constant 3 : i32
    %add3A_187 = arith.addi %mul3A_185, %add3A_186 : i32
    %eq3A_188 = vector.broadcast %add3A_187 : i32 to vector<1x320xi32>
    %eq3A_189 = arith.cmpi eq, %div3A_128, %eq3A_188 : vector<1x320xi32>
    %convert_element_type3A_190 = arith.extui %eq3A_189 : vector<1x320xi1> to vector<1x320xi32>
    %convert_element_type3A_191 = arith.sitofp %convert_element_type3A_190 : vector<1x320xi32> to vector<1x320xf32>
    %mul3A_192 = arith.mulf %convert_element_type3A_113, %convert_element_type3A_191 : vector<1x320xf32>
    %convert_element_type3A_193 = arith.extui %eq3A_140 : vector<32x320xi1> to vector<32x320xi32>
    %convert_element_type3A_194 = arith.sitofp %convert_element_type3A_193 : vector<32x320xi32> to vector<32x320xf32>
    %mul3A_195 = vector.broadcast %mul3A_192 : vector<1x320xf32> to vector<32x320xf32>
    %mul3A_196 = arith.mulf %convert_element_type3A_194, %mul3A_195 : vector<32x320xf32>
    %mul3A_197 = arith.constant 8 : i32
    %mul3A_198 = arith.muli %arg0, %mul3A_197 : i32
    %add3A_199 = arith.constant 4 : i32
    %add3A_200 = arith.addi %mul3A_198, %add3A_199 : i32
    %eq3A_201 = vector.broadcast %add3A_200 : i32 to vector<1x320xi32>
    %eq3A_202 = arith.cmpi eq, %div3A_128, %eq3A_201 : vector<1x320xi32>
    %convert_element_type3A_203 = arith.extui %eq3A_202 : vector<1x320xi1> to vector<1x320xi32>
    %convert_element_type3A_204 = arith.sitofp %convert_element_type3A_203 : vector<1x320xi32> to vector<1x320xf32>
    %mul3A_205 = arith.mulf %convert_element_type3A_113, %convert_element_type3A_204 : vector<1x320xf32>
    %convert_element_type3A_206 = arith.extui %eq3A_140 : vector<32x320xi1> to vector<32x320xi32>
    %convert_element_type3A_207 = arith.sitofp %convert_element_type3A_206 : vector<32x320xi32> to vector<32x320xf32>
    %mul3A_208 = vector.broadcast %mul3A_205 : vector<1x320xf32> to vector<32x320xf32>
    %mul3A_209 = arith.mulf %convert_element_type3A_207, %mul3A_208 : vector<32x320xf32>
    %mul3A_210 = arith.constant 8 : i32
    %mul3A_211 = arith.muli %arg0, %mul3A_210 : i32
    %add3A_212 = arith.constant 5 : i32
    %add3A_213 = arith.addi %mul3A_211, %add3A_212 : i32
    %eq3A_214 = vector.broadcast %add3A_213 : i32 to vector<1x320xi32>
    %eq3A_215 = arith.cmpi eq, %div3A_128, %eq3A_214 : vector<1x320xi32>
    %convert_element_type3A_216 = arith.extui %eq3A_215 : vector<1x320xi1> to vector<1x320xi32>
    %convert_element_type3A_217 = arith.sitofp %convert_element_type3A_216 : vector<1x320xi32> to vector<1x320xf32>
    %mul3A_218 = arith.mulf %convert_element_type3A_113, %convert_element_type3A_217 : vector<1x320xf32>
    %convert_element_type3A_219 = arith.extui %eq3A_140 : vector<32x320xi1> to vector<32x320xi32>
    %convert_element_type3A_220 = arith.sitofp %convert_element_type3A_219 : vector<32x320xi32> to vector<32x320xf32>
    %mul3A_221 = vector.broadcast %mul3A_218 : vector<1x320xf32> to vector<32x320xf32>
    %mul3A_222 = arith.mulf %convert_element_type3A_220, %mul3A_221 : vector<32x320xf32>
    %mul3A_223 = arith.constant 8 : i32
    %mul3A_224 = arith.muli %arg0, %mul3A_223 : i32
    %add3A_225 = arith.constant 6 : i32
    %add3A_226 = arith.addi %mul3A_224, %add3A_225 : i32
    %eq3A_227 = vector.broadcast %add3A_226 : i32 to vector<1x320xi32>
    %eq3A_228 = arith.cmpi eq, %div3A_128, %eq3A_227 : vector<1x320xi32>
    %convert_element_type3A_229 = arith.extui %eq3A_228 : vector<1x320xi1> to vector<1x320xi32>
    %convert_element_type3A_230 = arith.sitofp %convert_element_type3A_229 : vector<1x320xi32> to vector<1x320xf32>
    %mul3A_231 = arith.mulf %convert_element_type3A_113, %convert_element_type3A_230 : vector<1x320xf32>
    %convert_element_type3A_232 = arith.extui %eq3A_140 : vector<32x320xi1> to vector<32x320xi32>
    %convert_element_type3A_233 = arith.sitofp %convert_element_type3A_232 : vector<32x320xi32> to vector<32x320xf32>
    %mul3A_234 = vector.broadcast %mul3A_231 : vector<1x320xf32> to vector<32x320xf32>
    %mul3A_235 = arith.mulf %convert_element_type3A_233, %mul3A_234 : vector<32x320xf32>
    %mul3A_236 = arith.constant 8 : i32
    %mul3A_237 = arith.muli %arg0, %mul3A_236 : i32
    %add3A_238 = arith.constant 7 : i32
    %add3A_239 = arith.addi %mul3A_237, %add3A_238 : i32
    %eq3A_240 = vector.broadcast %add3A_239 : i32 to vector<1x320xi32>
    %eq3A_241 = arith.cmpi eq, %div3A_128, %eq3A_240 : vector<1x320xi32>
    %convert_element_type3A_242 = arith.extui %eq3A_241 : vector<1x320xi1> to vector<1x320xi32>
    %convert_element_type3A_243 = arith.sitofp %convert_element_type3A_242 : vector<1x320xi32> to vector<1x320xf32>
    %mul3A_244 = arith.mulf %convert_element_type3A_113, %convert_element_type3A_243 : vector<1x320xf32>
    %convert_element_type3A_245 = arith.extui %eq3A_140 : vector<32x320xi1> to vector<32x320xi32>
    %convert_element_type3A_246 = arith.sitofp %convert_element_type3A_245 : vector<32x320xi32> to vector<32x320xf32>
    %mul3A_247 = vector.broadcast %mul3A_244 : vector<1x320xf32> to vector<32x320xf32>
    %mul3A_248 = arith.mulf %convert_element_type3A_246, %mul3A_247 : vector<32x320xf32>
    %concatenate3A = tpu.concatenate %mul3A_157, %mul3A_170, %mul3A_183, %mul3A_196, %mul3A_209, %mul3A_222, %mul3A_235, %mul3A_248 in 0 : vector<32x320xf32>, vector<32x320xf32>, vector<32x320xf32>, vector<32x320xf32>, vector<32x320xf32>, vector<32x320xf32>, vector<32x320xf32>, vector<32x320xf32> -> vector<256x320xf32>
    %dot_general3A = arith.constant dense<0.000000e+00> : vector<256x32xf32>
    %dot_general3A_249 = tpu.matmul %concatenate3A, %convert_element_type3A_144, %dot_general3A {dimension_numbers = #tpu.dot_dimension_numbers<[1], [1], [0], [0], [0, 0, 1, 0], [], []>, transpose_lhs_hint = false} : vector<256x320xf32>, vector<32x320xf32>, vector<256x32xf32> -> vector<256x32xf32>
    %gt3A_250 = arith.constant 0.000000e+00 : f32
    %gt3A_251 = vector.broadcast %gt3A_250 : f32 to vector<256x32xf32>
    %gt3A_252 = arith.cmpf ogt, %dot_general3A_249, %gt3A_251 : vector<256x32xf32>
    %log3A = math.log %reshape3A : vector<256x32xf32>
    %max3A = arith.constant -1.000000e+02 : f32
    %max3A_253 = vector.broadcast %max3A : f32 to vector<256x32xf32>
    %max3A_254 = arith.maximumf %log3A, %max3A_253 : vector<256x32xf32>
    %sub3A_255 = arith.constant 1.000000e+00 : f32
    %sub3A_256 = vector.broadcast %sub3A_255 : f32 to vector<256x32xf32>
    %sub3A_257 = arith.subf %sub3A_256, %reshape3A : vector<256x32xf32>
    %log3A_258 = math.log %sub3A_257 : vector<256x32xf32>
    %max3A_259 = arith.constant -1.000000e+02 : f32
    %max3A_260 = vector.broadcast %max3A_259 : f32 to vector<256x32xf32>
    %max3A_261 = arith.maximumf %log3A_258, %max3A_260 : vector<256x32xf32>
    %neg3A = arith.constant 0.000000e+00 : f32
    %neg3A_262 = vector.broadcast %neg3A : f32 to vector<256x32xf32>
    %neg3A_263 = arith.subf %neg3A_262, %max3A_254 : vector<256x32xf32>
    %neg3A_264 = arith.constant 0.000000e+00 : f32
    %neg3A_265 = vector.broadcast %neg3A_264 : f32 to vector<256x32xf32>
    %neg3A_266 = arith.subf %neg3A_265, %max3A_261 : vector<256x32xf32>
    %select_n3A_267 = arith.select %gt3A_252, %neg3A_263, %neg3A_266 : vector<256x32xi1>, vector<256x32xf32>
    %reduce_sum3A = vector.shape_cast %select_n3A_267 : vector<256x32xf32> to vector<1x256x32xf32>
    %reduce_sum3A_268 = arith.constant dense<0.000000e+00> : vector<1xf32>
    %reduce_sum3A_269 = vector.multi_reduction <add>, %reduce_sum3A, %reduce_sum3A_268 [1, 2] : vector<1x256x32xf32> to vector<1xf32>
    %reduce_sum3A_270 = vector.shape_cast %reduce_sum3A_269 : vector<1xf32> to vector<1x1x1xf32>
    %reduce_sum3A_271 = vector.extract %reduce_sum3A_270[0, 0, 0] : f32 from vector<1x1x1xf32>
    %eq3A_272 = arith.constant 0 : i32
    %eq3A_273 = arith.cmpi eq, %arg0, %eq3A_272 : i32
    %get3A_274 = arith.constant 0 : index
    %get3A_275 = arith.constant 0 : index
    %get3A_276 = memref.load %arg4[%get3A_274, %get3A_275] : memref<1x1xf32, #tpu.memory_space<smem>>
    %jit3A_277 = arith.constant 0.000000e+00 : f32
    %select_n3A_278 = arith.select %eq3A_273, %jit3A_277, %get3A_276 : f32
    %add3A_279 = arith.addf %select_n3A_278, %reduce_sum3A_271 : f32
    %swap3A = arith.constant 0 : index
    %swap3A_280 = arith.constant 0 : index
    %swap3A_281 = memref.load %arg4[%swap3A, %swap3A_280] : memref<1x1xf32, #tpu.memory_space<smem>>
    memref.store %add3A_279, %arg4[%swap3A, %swap3A_280] : memref<1x1xf32, #tpu.memory_space<smem>>
    return
  }
  func.func @transform_0(%arg0: i32) -> (i32, i32) {
    %c0_i32 = arith.constant 0 : i32
    %c0_i32_0 = arith.constant 0 : i32
    %c0_i32_1 = arith.constant 0 : i32
    return %c0_i32, %c0_i32_0 : i32, i32
  }
  func.func @transform_1(%arg0: i32) -> (i32, i32) {
    %c0_i32 = arith.constant 0 : i32
    %c0_i32_0 = arith.constant 0 : i32
    %c0_i32_1 = arith.constant 0 : i32
    return %c0_i32, %c0_i32_0 : i32, i32
  }
  func.func @transform_2(%arg0: i32) -> (i32, i32, i32, i32) {
    %c0_i32 = arith.constant 0 : i32
    %c0_i32_0 = arith.constant 0 : i32
    %c0_i32_1 = arith.constant 0 : i32
    %c0_i32_2 = arith.constant 0 : i32
    return %arg0, %c0_i32, %c0_i32_0, %c0_i32_1 : i32, i32, i32, i32
  }
  func.func @transform_3(%arg0: i32) -> (i32, i32) {
    %c0_i32 = arith.constant 0 : i32
    %c0_i32_0 = arith.constant 0 : i32
    %c0_i32_1 = arith.constant 0 : i32
    return %c0_i32, %c0_i32_0 : i32, i32
  }
}

</mosaic_0001>

<sc_bundles>
// kernel: kernel.5.cloned.1.call-start
scs
__scs_entry_jumppad:
0x0: {  	(pc) =	sbr.rel $0x88, $3  }
0x1: {  	(tag) =	ssettag $0x0;
	lr =	simm.s32 $0x1  }
0x2: {  	[smem:$0x3F9E] =	sst lr;
	_ =	strace $0xD0000000  }
0x3: {  	_ = 	snop  }
0x4: {  	_ = 	snop  }
0x5: {  	_ = 	snop  }
0x6: {  	_ = 	snop  }
0x7: {  	_ = 	snop  }
__scs_overlays_trampoline_lowered:
0x8: {  	[smem:$0x3FAD] =	sst s0  }
0x9: {  	[smem:$0x3FAE] =	sst s1  }
0xa: {  	[smem:$0x3FAF] =	sst s2  }
0xb: {  	[smem:$0x3FB0] =	sst s3  }
0xc: {  	[smem:$0x3FB1] =	sst s4  }
0xd: {  	[smem:$0x3FB2] =	sst s5  }
0xe: {  	[smem:$0x3FB3] =	sst s6  }
0xf: {  	[smem:$0x3FB4] =	sst s7  }
0x10: {  	[smem:$0x3FB5] =	sst s8  }
0x11: {  	[smem:$0x3FB6] =	sst s9;
	s0 =	simm.s32 @!p0 $0x0  }
0x12: {  	s1 =	sld [smem:$0x3F9C];
	s0 =	simm.s32 @p0 $0x1  }
0x13: {  	[smem:$0x3FB7] =	sst s0;
	s0 =	simm.s32 @!p1 $0x0  }
0x14: {  	s2 =	sld [smem:$0x3F9B];
	s0 =	simm.s32 @p1 $0x1  }
0x15: {  	[smem:$0x3FB8] =	sst s0;
	s0 =	simm.s32 @!p2 $0x0  }
0x16: {  	s3 =	sld [smem:$0x3FDB];
	s0 =	simm.s32 @p2 $0x1  }
0x17: {  	s4 =	simm.s32 $0x1BF5;
	[smem:$0x3FBA] =	sst s0  }
0x18: {  	s0 =	sld [smem:$0x3F9D];
	_ =	swait.ge [sflag:s4], $0x0  }
0x19: {  	s7 =	sld [smem:$0x3F9E]  }
0x1a: {  	s8 =	sadd.s32 $0xFFFFE003, lr  }
0x1b: {  	s9 =	sadd.s32 $0xFFFFFEF7, lr;
	s5 =	simm.s32 $0xFFFFFFFF;
	p2 =	slt.u32 s8, $0xFFFFF086  }
0x1c: {  	p1 =	slt.u32 s9, $0xF7A;
	s5 =	simm.s32 @!p2 $0x0  }
0x1d: {  	s5 =	simm.s32 @p1 $0x1;
	p0 =	seq.s32 s7, s2  }
0x1e: {  	s7 =	smul.u32 @!p0 $0xF7A, s2;
	p2 =	seq.s32 @!p0 s5, $0x0  }
0x1f: {  	s9 =	smul.u32 $0xF7A, s1;
	s8 =	simm.s32 @!p0 $0x1BF5;
	p2 =	por !p2, p0  }
0x20: {  	[sflag:s8] =	ssyncset.s32 @!p0 $0xFFFFF086;
	s6 =	sadd.s32 @!p0 s3, s7;
	s7 =	simm.s32 @!p0 $0x108  }
0x21: {  	s3 =	sadd.s32 s3, s9;
	s6 =	sadd.s32 @!p0 $0x88, s6;
	s7 =	simm.s32 @p2 $0x1082  }
0x22: {  	[simem:s7], [sflag:s8] =	dma.local @!p0 [hbm:s6], $0xF7A  }
0x23: {  	s9 =	sor.u32 $0xD0000000, s2;
	s6 =	simm.s32 $0x108;
	_ =	swait.ge @!p0 [sflag:s8], $0x0  }
0x24: {  	s3 =	sadd.s32 $0x88, s3;
	s6 =	simm.s32 @!p1 $0x1082;
	[sflag:s4] =	ssyncset.s32 $0xFFFFF086  }
0x25: {  	[simem:s6], [sflag:s4] =	dma.local [hbm:s3], $0xF7A  }
0x26: {  	[smem:$0x3F9E] =	sst s1;
	(tag) =	ssettag s2;
	_ =	strace s9  }
0x27: {  	s1 =	sld [smem:$0x3FAE]  }
0x28: {  	s2 =	sld [smem:$0x3FAF]  }
0x29: {  	s4 =	sld [smem:$0x3FB1]  }
0x2a: {  	p0 =	seq.s32 s5, $0x0;
	s5 =	sld [smem:$0x3FB2]  }
0x2b: {  	s6 =	sld [smem:$0x3FB3]  }
0x2c: {  	s7 =	sld [smem:$0x3FB4]  }
0x2d: {  	s3 =	simm.s32 $0x108;
	s8 =	sld [smem:$0x3FB5]  }
0x2e: {  	s3 =	simm.s32 @!p0 $0x1082;
	s9 =	sld [smem:$0x3FB6]  }
0x2f: {  	lr =	sadd.s32 s0, s3;
	s0 =	sld [smem:$0x3FAD]  }
0x30: {  	s3 =	sld [smem:$0x3FB0]  }
0x31: {  	[smem:$0x3FB9] =	sst s10  }
0x32: {  	s10 =	sld [smem:$0x3FB7];
	_ =	sdelay $0x3  }
0x33: {  	p0 =	seq.s32 s10, $0x1;
	s10 =	sld [smem:$0x3FB9];
	_ =	sdelay $0x3  }
0x34: {  	[smem:$0x3FB9] =	sst s10  }
0x35: {  	s10 =	sld [smem:$0x3FB8];
	_ =	sdelay $0x3  }
0x36: {  	p1 =	seq.s32 s10, $0x1;
	s10 =	sld [smem:$0x3FB9];
	_ =	sdelay $0x3  }
0x37: {  	[smem:$0x3FB9] =	sst s10  }
0x38: {  	s10 =	sld [smem:$0x3FBA]  }
0x39: {  	_ = 	snop;
	(pc) =	sbr.ind lr, $3  }
0x3a: {  	_ = 	snop  }
0x3b: {  	_ = 	snop  }
0x3c: {  	p2 =	seq.s32 s10, $0x1;
	s10 =	sld [smem:$0x3FB9]  }
0x3d: {  	_ =	shalt  }
0x3e: {  	_ =	shalt  }
0x3f: {  	_ =	shalt  }
0x40: {  	_ =	shalt  }
0x41: {  	_ =	shalt  }
0x42: {  	_ =	shalt  }
0x43: {  	_ =	shalt  }
0x44: {  	_ =	shalt  }
0x45: {  	_ =	shalt  }
0x46: {  	_ =	shalt  }
0x47: {  	_ =	shalt  }
0x48: {  	_ =	shalt  }
0x49: {  	_ =	shalt  }
0x4a: {  	_ =	shalt  }
0x4b: {  	_ =	shalt  }
0x4c: {  	_ =	shalt  }
0x4d: {  	_ =	shalt  }
0x4e: {  	_ =	shalt  }
0x4f: {  	_ =	shalt  }
0x50: {  	_ =	shalt  }
0x51: {  	_ =	shalt  }
0x52: {  	_ =	shalt  }
0x53: {  	_ =	shalt  }
0x54: {  	_ =	shalt  }
0x55: {  	_ =	shalt  }
0x56: {  	_ =	shalt  }
0x57: {  	_ =	shalt  }
0x58: {  	_ =	shalt  }
0x59: {  	_ =	shalt  }
0x5a: {  	_ =	shalt  }
0x5b: {  	_ =	shalt  }
0x5c: {  	_ =	shalt  }
0x5d: {  	_ =	shalt  }
0x5e: {  	_ =	shalt  }
0x5f: {  	_ =	shalt  }
0x60: {  	_ =	shalt  }
0x61: {  	_ =	shalt  }
0x62: {  	_ =	shalt  }
0x63: {  	_ =	shalt  }
0x64: {  	_ =	shalt  }
0x65: {  	_ =	shalt  }
0x66: {  	_ =	shalt  }
0x67: {  	_ =	shalt  }
0x68: {  	_ =	shalt  }
0x69: {  	_ =	shalt  }
0x6a: {  	_ =	shalt  }
0x6b: {  	_ =	shalt  }
0x6c: {  	_ =	shalt  }
0x6d: {  	_ =	shalt  }
0x6e: {  	_ =	shalt  }
0x6f: {  	_ =	shalt  }
0x70: {  	_ =	shalt  }
0x71: {  	_ =	shalt  }
0x72: {  	_ =	shalt  }
0x73: {  	_ =	shalt  }
0x74: {  	_ =	shalt  }
0x75: {  	_ =	shalt  }
0x76: {  	_ =	shalt  }
0x77: {  	_ =	shalt  }
0x78: {  	_ =	shalt  }
0x79: {  	_ =	shalt  }
0x7a: {  	_ =	shalt  }
0x7b: {  	_ =	shalt  }
0x7c: {  	_ =	shalt  }
0x7d: {  	_ =	shalt  }
0x7e: {  	_ =	shalt  }
0x7f: {  	_ =	shalt  }
0x80: {  	_ =	shalt  }
0x81: {  	_ =	shalt  }
0x82: {  	_ =	shalt  }
0x83: {  	_ =	shalt  }
0x84: {  	_ =	shalt  }
0x85: {  	_ =	shalt  }
0x86: {  	_ =	shalt  }
0x87: {  	_ =	shalt  }
.Lfunc_end0:
.L_simem_size_0:
called_computation_lowered:
.L_overlay_start_0:
0x88: {  	s2 =	sld [smem:$0x3FD9]  }
0x89: {  	s3 =	sld [smem:$0x3FFE];
	_ =	sdelay $0x1  }
0x8a: {  	s1 =	srdreg.scid  }
0x8b: {  	s0 =	sand.u32 $0x1, s1  }
0x8c: {  	s17 =	sshll.u32 s0, $0xA;
	s2 =	sadd.s32 s3, s2  }
0x8d: {  	s2 =	sadd.s32 s2, s17  }
0x8e: {  	[smem:$0x3FC5] =	sst s2  }
0x8f: {  	_ = 	snop  }
0x90: {  	s2 =	sld [smem:$0x3FC9];
	(tm) =	ssettm $0x1  }
0x91: {  	s18 =	sld [smem:$0x3FFB];
	_ =	sdelay $0x3  }
0x92: {  	_ =	strace s18  }
0x93: {  	s3 =	sld [smem:$0x3FFC];
	_ =	sdelay $0x3  }
0x94: {  	_ =	strace s3  }
0x95: {  	s3 =	sld [smem:$0x3FFD];
	_ =	sdelay $0x3  }
0x96: {  	_ =	strace s3  }
0x97: {  	_ =	strace $0x8FFFFFFF  }
0x98: {  	s19 =	sld [smem:$0x3FDB];
	_ =	sdelay $0x1  }
0x99: {  	s4 =	simm.s32 $_scs_section_size  }
0x9a: {  	s5 =	simm.s32 $_size__tile_overlayer_lowered;
	s6 =	simm.s32 $_tile_overlayer_lowered  }
0x9b: {  	s22 =	simm.s32 $0x1BFF;
	s21 =	sshll.u32 s6, $0x1;
	s3 =	sadd.s32 s4, s19  }
0x9c: {  	s7 =	simm.s32 $0x0;
	s20 =	sshll.u32 s5, $0x1;
	s5 =	sadd.s32 s21, s3  }
0x9d: {  	[timem:s7], [sflag:s22] =	dma.local [hbm:s5], s20  }
0x9e: {  	_ =	swait.ge [sflag:s22], s20  }
0x9f: {  	s4 =	ssub.s32 $0x0, s20;
	[sflag:s22] =	ssyncset.done $0x0  }
0xa0: {  	[sflag:s22] =	ssyncadd.s32 s4;
	_ =	sdelay $0x1  }
0xa1: {  	s23 =	simm.s32 $0x1B8B  }
0xa2: {  	_ =	swait.ge [sflag:s23], $0x1  }
0xa3: {  	[sflag:s23] =	ssyncset.done $0x0  }
0xa4: {  	s25 =	simm.s32 $0x1B8E;
	s24 =	sld [smem:$0x3FFE];
	[sflag:s23] =	ssyncadd.s32 $0xFFFFFFFF  }
0xa5: {  	s26 =	simm.s32 $execute0_lowered;
	[smem:$0x3FD2] =	sst s25  }
0xa6: {  	s5 =	sshll.u32 s26, $0x1;
	_ =	strace $0x80000046;
	[dreg:$0x1] =	wrdreg $0xFFFFFFFF  }
0xa7: {  	s28 =	simm.s32 $_size_execute0_lowered;
	s3 =	sadd.s32 s3, s5;
	[dreg:$0x0] =	wrdreg $0x0  }
0xa8: {  	s5 =	sshll.u32 s28, $0x1;
	[dreg:$0x2] =	wrdreg s3  }
0xa9: {  	[dreg:$0x3] =	wrdreg s5  }
0xaa: {  	[dreg:$0x4] =	wrdreg $0xC0  }
0xab: {  	_ =	task [dreg:s7], $0x5FFFF  }
0xac: {  	[dreg:$0x1] =	wrdreg $0xFFFFFFFF  }
0xad: {  	[dreg:$0x0] =	wrdreg $0x60  }
0xae: {  	[dreg:$0x2] =	wrdreg s2  }
0xaf: {  	[dreg:$0x3] =	wrdreg s24  }
0xb0: {  	[dreg:$0x4] =	wrdreg $0x9  }
0xb1: {  	_ =	task.clear_ibuf [dreg:s7], $0x5FFFF;
	_ =	strace $0x90000046  }
0xb2: {  	s29 =	simm.s32 $0x9;
	_ =	strace $0x80000048  }
0xb3: {  	_ =	swait.ge [sflag:s29], $0x1  }
0xb4: {  	[sflag:s29] =	ssyncadd.s32 $0xFFFFFFFF  }
0xb5: {  	_ =	strace $0x90000048  }
0xb6: {  	_ =	sfence  }
0xb7: {  	s30 =	sld [smem:$0x0];
	_ =	sdelay $0x2  }
0xb8: {  	s31 =	sshll.u32 s1, $0xD;
	s1 =	sshrl.u32 s1, $0x2  }
0xb9: {  	s3 =	sand.u32 $0x4000, s31;
	s1 =	sadd.s32 s1, s30  }
0xba: {  	s0 =	sor.u32 s3, s0;
	s1 =	sshll.u32 s1, $0x11  }
0xbb: {  	s0 =	sor.u32 s1, s0  }
0xbc: {  	s0 =	sadd.s32 $0x8F2B, s0  }
0xbd: {  	[sflag:s0] =	ssyncadd.remote.s32 $0x1  }
0xbe: {  	_ =	sfence.sel $0xFFFF  }
0xbf: {  	[dreg:$0x0] =	wrdreg $0xFFFFFFFF;
	(pc) =	sbr.abs _section_cstart, $3  }
0xc0: {  	[dreg:$0x1] =	wrdreg $0xFFFFFFFF  }
0xc1: {  	_ =	task.clear_ibuf [dreg:s7], $0x2FFFF;
	_ =	strace $0x9FFFFFFF  }
0xc2: {  	(tm) =	ssettm $0x7FFFFFFF  }
0xc3: {  	_ =	shalt  }
tec
execute0_lowered:
.L_overlay_start_1:
0x0: {  	(tag) =	ssettag $0x1  }
0x1: {  	s1 =	srdreg.scid;
	s3 =	rddreg [dreg:$0x0]  }
0x2: {  	s0 =	stileid.u32;
	s5 =	rddreg [dreg:$0x1];
	s2 =	simm.s32 $0x0  }
0x3: {  	s9 =	simm.s32 $0x2;
	s4 =	sand.u32 $0x1, s1;
	s30 =	sshll.u32 s0, $0x1  }
0x4: {  	s10 =	simm.s32 $0x18000;
	s11 =	simm.s32 $0x3;
	s6 =	sor.u32 s4, s30  }
0x5: {  	v0 =	vimm.s32 $0x4;
	s12 =	simm.s32 $0x0;
	s4 =	ssub.s32 $0x2, s4;
	s7 =	smul.u32 $0x18000, s6  }
0x6: {  	vm0 =	vmmov $0x1;
	vm1 =	vmmov $0x3;
	vm2 =	vmmov $0x7;
	[smem:$0x7FF] =	sst s2;
	s6 =	smul.u32 $0x60, s6;
	s8 =	sshrl.u32 s4, $0x1  }
0x7: {  	vm3 =	vmmov $0xf;
	vm4 =	vmmov $0x1f;
	vm5 =	vmmov $0x3f;
	s1 =	rddreg [dreg:$0x2];
	_ =	strace $0x80000047;
	s31 =	ssub.s32 s4, s8  }
0x8: {  	vm6 =	vmmov $0x7f;
	vm7 =	vmmov $0xff;
	vm8 =	vmmov $0x1ff;
	s8 =	simm.s32 $0x1;
	s7 =	sshrl.u32 s7, $0x3;
	s5 =	sadd.s32 s6, s5  }
0x9: {  	vm9 =	vmmov $0x3ff;
	vm10 =	vmmov $0x7ff;
	vm11 =	vmmov $0xfff;
	s6 =	smax.u32 s31, $0x1;
	s7 =	sadd.s32 s3, s7;
	s5 =	sadd.s32 $0xA00, s5  }
0xa: {  	vm12 =	vmmov $0x1fff;
	vm13 =	vmmov $0x3fff;
	vm14 =	vmmov $0x7fff;
	s3 =	sadd.s32 $0x60000, s7;
	s4 =	sadd.s32 $0x61800, s7;
	s7 =	simm.s32 $0xC000  }
.LBB2_1:
0xb: {  	[tilespmem:s2], [sflag:$0x1] =	stream.linear.gather [hbm4b:s3+s2], $0xC000, $0x38;
	[tilespmem:$0x18300] =	vst v63  }
0xc: {  	_ = 	snop  }
0xd: {  	[tilespmem:s7], [sflag:$0x2] =	stream.linear.gather [hbm4b:s4+s2], $0xC000, $0x38;
	[tilespmem:$0x18300] =	vst v63  }
0xe: {  	_ =	swait.ge [sflag:s8], $0xC000  }
0xf: {  	[sflag:s8] =	ssyncset.done $0x0  }
0x10: {  	s14 =	simm.s32 $0x400;
	[sflag:s8] =	ssyncadd.s32 $0xFFFF4000  }
0x11: {  	v1 =	vld [tilespmem:s14+$0xFFFFFC00]  }
0x12: {  	s15 =	simm.s32 $0x40;
	s13 =	simm.s32 $0x0;
	v2 =	vld [tilespmem:s14+$0xFFFFFC80]  }
.LBB2_2:
0x13: {  	p0 =	sne.s32 s15, $0x5C0;
	v3 =	vld [tilespmem:s14+$0xFFFFFD00]  }
0x14: {  	v4 =	vld [tilespmem:s14+$0xFFFFFD80]  }
0x15: {  	v5 =	vld [tilespmem:s14+$0xFFFFFE00]  }
0x16: {  	v6 =	vld [tilespmem:s14+$0xFFFFFE80]  }
0x17: {  	v1 =	vperm.xlane v1, v0;
	v2 =	vperm.xlane v2, v0;
	v7 =	vld [tilespmem:s14+$0xFFFFFF00]  }
0x18: {  	v3 =	vperm.xlane v3, v0;
	v8 =	vld [tilespmem:s14+$0xFFFFFF80]  }
0x19: {  	v1 =	vsel vm0, v1, v2;
	v2 =	vperm.xlane v4, v0;
	v4 =	vld [tilespmem:s14+$0x0]  }
0x1a: {  	v1 =	vsel vm1, v1, v3;
	v3 =	vperm.xlane v5, v0;
	v5 =	vld [tilespmem:s14+$0x80]  }
0x1b: {  	v1 =	vsel vm2, v1, v2;
	v2 =	vperm.xlane v6, v0;
	v6 =	vld [tilespmem:s14+$0x100]  }
0x1c: {  	v1 =	vsel vm3, v1, v3;
	v3 =	vperm.xlane v7, v0;
	v7 =	vld [tilespmem:s14+$0x180]  }
0x1d: {  	v1 =	vsel vm4, v1, v2;
	v2 =	vperm.xlane v8, v0;
	v8 =	vld [tilespmem:s14+$0x200]  }
0x1e: {  	v1 =	vsel vm5, v1, v3;
	v3 =	vperm.xlane v4, v0;
	v4 =	vld [tilespmem:s14+$0x280]  }
0x1f: {  	v1 =	vsel vm6, v1, v2;
	v2 =	vperm.xlane v5, v0;
	v5 =	vld [tilespmem:s14+$0x300]  }
0x20: {  	v1 =	vsel vm7, v1, v3;
	v3 =	vperm.xlane v6, v0;
	v6 =	vld [tilespmem:s14+$0x380]  }
0x21: {  	v1 =	vsel vm8, v1, v2;
	v2 =	vperm.xlane v7, v0  }
0x22: {  	v1 =	vsel vm9, v1, v3;
	v3 =	vperm.xlane v8, v0  }
0x23: {  	v1 =	vsel vm10, v1, v2;
	v2 =	vperm.xlane v4, v0  }
0x24: {  	v1 =	vsel vm11, v1, v3;
	v3 =	vperm.xlane v5, v0  }
0x25: {  	v1 =	vsel vm12, v1, v2;
	v2 =	vperm.xlane v6, v0  }
.Ltmp0:
0x26: {  	v1 =	vsel vm13, v1, v3;
	(pc) =	sbr.rel @p0 .LBB2_2-.Ltmp0, $4  }
0x27: {  	s16 =	sshra.s32 s13, $0x2;
	s13 =	smov.u32 s15;
	v1 =	vsel vm14, v1, v2  }
0x28: {  	s14 =	sadd.s32 $0x800, s14;
	[tilespmem:s16+$0x18000] =	vst v1  }
0x29: {  	v1 =	vld [tilespmem:s14+$0xFFFFFC00]  }
0x2a: {  	s15 =	sadd.s32 $0x40, s15;
	v2 =	vld [tilespmem:s14+$0xFFFFFC80]  }
0x2b: {  	v3 =	vld [tilespmem:s14+$0xFFFFFD00]  }
0x2c: {  	v4 =	vld [tilespmem:s14+$0xFFFFFD80]  }
0x2d: {  	v5 =	vld [tilespmem:s14+$0xFFFFFE00]  }
0x2e: {  	v6 =	vld [tilespmem:s14+$0xFFFFFE80]  }
0x2f: {  	v7 =	vld [tilespmem:s14+$0xFFFFFF00];
	v1 =	vperm.xlane v1, v0;
	v2 =	vperm.xlane v2, v0  }
0x30: {  	v8 =	vld [tilespmem:s14+$0xFFFFFF80];
	v3 =	vperm.xlane v3, v0  }
0x31: {  	v56 =	vld [tilespmem:s14+$0x0];
	v1 =	vsel vm0, v1, v2;
	v2 =	vperm.xlane v4, v0  }
0x32: {  	v57 =	vld [tilespmem:s14+$0x80];
	v1 =	vsel vm1, v1, v3;
	v3 =	vperm.xlane v5, v0  }
0x33: {  	v58 =	vld [tilespmem:s14+$0x100];
	v1 =	vsel vm2, v1, v2;
	v2 =	vperm.xlane v6, v0  }
0x34: {  	v59 =	vld [tilespmem:s14+$0x180];
	v1 =	vsel vm3, v1, v3;
	v3 =	vperm.xlane v7, v0  }
0x35: {  	v60 =	vld [tilespmem:s14+$0x200];
	v1 =	vsel vm4, v1, v2;
	v2 =	vperm.xlane v8, v0  }
0x36: {  	v61 =	vld [tilespmem:s14+$0x280];
	v1 =	vsel vm5, v1, v3;
	v3 =	vperm.xlane v56, v0  }
0x37: {  	v62 =	vld [tilespmem:s14+$0x300];
	v1 =	vsel vm6, v1, v2;
	v2 =	vperm.xlane v57, v0  }
0x38: {  	v63 =	vld [tilespmem:s14+$0x380];
	v1 =	vsel vm7, v1, v3;
	v3 =	vperm.xlane v58, v0  }
0x39: {  	v1 =	vsel vm8, v1, v2;
	v2 =	vperm.xlane v59, v0  }
0x3a: {  	v1 =	vsel vm9, v1, v3;
	v3 =	vperm.xlane v60, v0  }
0x3b: {  	v1 =	vsel vm10, v1, v2;
	v2 =	vperm.xlane v61, v0  }
0x3c: {  	v1 =	vsel vm11, v1, v3;
	v3 =	vperm.xlane v62, v0  }
0x3d: {  	v1 =	vsel vm12, v1, v2;
	v2 =	vperm.xlane v63, v0  }
0x3e: {  	v1 =	vsel vm13, v1, v3  }
0x3f: {  	s13 =	sshra.s32 s13, $0x2;
	v1 =	vsel vm14, v1, v2  }
0x40: {  	[tilespmem:s13+$0x18000] =	vst v1  }
0x41: {  	_ =	swait.ge [sflag:s9], $0xC000  }
0x42: {  	[sflag:s9] =	ssyncset.done $0x0  }
0x43: {  	s14 =	simm.s32 $0xC400;
	[sflag:s9] =	ssyncadd.s32 $0xFFFF4000  }
0x44: {  	v1 =	vld [tilespmem:s14+$0xFFFFFC00]  }
0x45: {  	s15 =	simm.s32 $0x10;
	s13 =	simm.s32 $0x0;
	v2 =	vld [tilespmem:s14+$0xFFFFFC80]  }
.LBB2_4:
0x46: {  	p0 =	sne.s32 s15, $0x170;
	v3 =	vld [tilespmem:s14+$0xFFFFFD00]  }
0x47: {  	v4 =	vld [tilespmem:s14+$0xFFFFFD80]  }
0x48: {  	v5 =	vld [tilespmem:s14+$0xFFFFFE00]  }
0x49: {  	v6 =	vld [tilespmem:s14+$0xFFFFFE80]  }
0x4a: {  	v1 =	vperm.xlane v1, v0;
	v2 =	vperm.xlane v2, v0;
	v7 =	vld [tilespmem:s14+$0xFFFFFF00]  }
0x4b: {  	v3 =	vperm.xlane v3, v0;
	v8 =	vld [tilespmem:s14+$0xFFFFFF80]  }
0x4c: {  	v1 =	vsel vm0, v1, v2;
	v2 =	vperm.xlane v4, v0;
	v4 =	vld [tilespmem:s14+$0x0]  }
0x4d: {  	v1 =	vsel vm1, v1, v3;
	v3 =	vperm.xlane v5, v0;
	v5 =	vld [tilespmem:s14+$0x80]  }
0x4e: {  	v1 =	vsel vm2, v1, v2;
	v2 =	vperm.xlane v6, v0;
	v6 =	vld [tilespmem:s14+$0x100]  }
0x4f: {  	v1 =	vsel vm3, v1, v3;
	v3 =	vperm.xlane v7, v0;
	v7 =	vld [tilespmem:s14+$0x180]  }
0x50: {  	v1 =	vsel vm4, v1, v2;
	v2 =	vperm.xlane v8, v0;
	v8 =	vld [tilespmem:s14+$0x200]  }
0x51: {  	v1 =	vsel vm5, v1, v3;
	v3 =	vperm.xlane v4, v0;
	v4 =	vld [tilespmem:s14+$0x280]  }
0x52: {  	v1 =	vsel vm6, v1, v2;
	v2 =	vperm.xlane v5, v0;
	v5 =	vld [tilespmem:s14+$0x300]  }
0x53: {  	v1 =	vsel vm7, v1, v3;
	v3 =	vperm.xlane v6, v0;
	v6 =	vld [tilespmem:s14+$0x380]  }
0x54: {  	v1 =	vsel vm8, v1, v2;
	v2 =	vperm.xlane v7, v0  }
0x55: {  	v1 =	vsel vm9, v1, v3;
	v3 =	vperm.xlane v8, v0  }
0x56: {  	v1 =	vsel vm10, v1, v2;
	v2 =	vperm.xlane v4, v0  }
0x57: {  	v1 =	vsel vm11, v1, v3;
	v3 =	vperm.xlane v5, v0  }
0x58: {  	v1 =	vsel vm12, v1, v2;
	v2 =	vperm.xlane v6, v0  }
.Ltmp1:
0x59: {  	v1 =	vsel vm13, v1, v3;
	(pc) =	sbr.rel @p0 .LBB2_4-.Ltmp1, $4  }
0x5a: {  	s16 =	sand.u32 $0x1F0, s13;
	s13 =	smov.u32 s15;
	v1 =	vsel vm14, v1, v2  }
0x5b: {  	s14 =	sadd.s32 $0x800, s14;
	[tilespmem:s16+$0x18180] =	vst v1  }
0x5c: {  	v1 =	vld [tilespmem:s14+$0xFFFFFC00]  }
0x5d: {  	s15 =	sadd.s32 $0x10, s15;
	v2 =	vld [tilespmem:s14+$0xFFFFFC80]  }
0x5e: {  	v3 =	vld [tilespmem:s14+$0xFFFFFD00]  }
0x5f: {  	v4 =	vld [tilespmem:s14+$0xFFFFFD80]  }
0x60: {  	v5 =	vld [tilespmem:s14+$0xFFFFFE00]  }
0x61: {  	v6 =	vld [tilespmem:s14+$0xFFFFFE80]  }
0x62: {  	v7 =	vld [tilespmem:s14+$0xFFFFFF00];
	v1 =	vperm.xlane v1, v0;
	v2 =	vperm.xlane v2, v0  }
0x63: {  	v8 =	vld [tilespmem:s14+$0xFFFFFF80];
	v3 =	vperm.xlane v3, v0  }
0x64: {  	v56 =	vld [tilespmem:s14+$0x0];
	v1 =	vsel vm0, v1, v2;
	v2 =	vperm.xlane v4, v0  }
0x65: {  	v57 =	vld [tilespmem:s14+$0x80];
	v1 =	vsel vm1, v1, v3;
	v3 =	vperm.xlane v5, v0  }
0x66: {  	v58 =	vld [tilespmem:s14+$0x100];
	v1 =	vsel vm2, v1, v2;
	v2 =	vperm.xlane v6, v0  }
0x67: {  	v59 =	vld [tilespmem:s14+$0x180];
	v1 =	vsel vm3, v1, v3;
	v3 =	vperm.xlane v7, v0  }
0x68: {  	v60 =	vld [tilespmem:s14+$0x200];
	v1 =	vsel vm4, v1, v2;
	v2 =	vperm.xlane v8, v0  }
0x69: {  	v61 =	vld [tilespmem:s14+$0x280];
	v1 =	vsel vm5, v1, v3;
	v3 =	vperm.xlane v56, v0  }
0x6a: {  	v62 =	vld [tilespmem:s14+$0x300];
	v1 =	vsel vm6, v1, v2;
	v2 =	vperm.xlane v57, v0  }
0x6b: {  	v63 =	vld [tilespmem:s14+$0x380];
	v1 =	vsel vm7, v1, v3;
	v3 =	vperm.xlane v58, v0  }
0x6c: {  	v1 =	vsel vm8, v1, v2;
	v2 =	vperm.xlane v59, v0  }
0x6d: {  	v1 =	vsel vm9, v1, v3;
	v3 =	vperm.xlane v60, v0  }
0x6e: {  	v1 =	vsel vm10, v1, v2;
	v2 =	vperm.xlane v61, v0  }
0x6f: {  	v1 =	vsel vm11, v1, v3;
	v3 =	vperm.xlane v62, v0  }
0x70: {  	v1 =	vsel vm12, v1, v2;
	v2 =	vperm.xlane v63, v0  }
0x71: {  	s12 =	sadd.s32 $0x1, s12;
	v1 =	vsel vm13, v1, v3  }
0x72: {  	s13 =	sand.u32 $0x1F0, s13;
	p0 =	sne.s32 s12, s6;
	v1 =	vsel vm14, v1, v2  }
.Ltmp2:
0x73: {  	[tilespmem:s13+$0x18180] =	vst v1;
	(pc) =	sbr.rel @p0 .LBB2_1-.Ltmp2, $4  }
0x74: {  	[hbm4b:s5+s2] =	stream.linear.scatter [tilespmem:s10], [sflag:$0x3], $0x300, $0x38;
	[tilespmem:$0x18300] =	vst v63  }
0x75: {  	_ =	swait.ge [sflag:s11], $0x300  }
0x76: {  	[sflag:s11] =	ssyncset.done $0x0  }
0x77: {  	[sflag:s11] =	ssyncadd.s32 $0xFFFFFD00  }
0x78: {  	_ =	sfence.sel $0x180000  }
0x79: {  	[bflag:$0x0] =	sbarrier.arrive $0xFFFF  }
0x7a: {  	p0 =	sne.s32 s0, $0x0;
	_ =	strace $0x90000047  }
0x7b: {  	s0 =	sadd.s32 @!p0 $0x100000, s1;
	[bflag:$0x2] =	sbarrier.arrive $0xFFFF  }
0x7c: {  	[sflag:s0] =	ssyncadd.tile.s32 @!p0 $0x1;
	_ =	shalt  }
.Lfunc_end2:
_tile_overlayer_lowered:
.L_overlay_start_2:
0x7d: {  	(tag) =	ssettag $0x2  }
0x7e: {  	s0 =	rddreg [dreg:$0x0];
	s2 =	stileid.u32  }
0x7f: {  	s1 =	rddreg [dreg:$0x1];
	p0 =	sne.s32 s2, $0x0  }
0x80: {  	s3 =	rddreg [dreg:$0x2];
	[bflag:$0x3] =	sbarrier.arrive $0xFFFF;
	s2 =	simm.s32 @!p0 $0x1C03  }
0x81: {  	[timem:s3], [sflag:s2] =	dma.local @!p0 [hbm:s0], s1  }
0x82: {  	s0 =	simm.s32 @!p0 $0x3  }
0x83: {  	_ =	swait.ge @!p0 [sflag:s0], s1  }
0x84: {  	s1 =	ssub.s32 @!p0 $0x0, s1;
	[sflag:s0] =	ssyncset.done @!p0 $0x0  }
0x85: {  	[sflag:s0] =	ssyncadd.s32 @!p0 s1  }
0x86: {  	[bflag:$0x3] =	sbarrier.arrive $0xFFFF  }
0x87: {  	_ =	shalt  }

</sc_bundles>
